<compile_context>
chip_gen: v7x
topology: tpu7x:2x2x1
jax: 0.10.2.dev20260603
libtpu: 0.0.44.dev20260713+nightly
codegen_flags: <defaults>
</compile_context>

<pallas_src>
import functools

import jax
import jax.numpy as jnp
from jax import lax
from jax.experimental import pallas as pl
from jax.experimental.pallas import tpu as pltpu
from jax.experimental.pallas import tpu_sc as plsc

NN = 10000
NE = 320000
DIN = 128
DHID = 128
DOUT = 32

NC = 2
NS = 16
K = 128
NBUF = 4
SDEPTH = 1

NCH = 160
_E_TILE = NCH * K
_PAD = NS * _E_TILE - NE

NCHD = 80
_PAD_D = NS * NCHD * K - NE // NC

_DR_T = 10
_ROWS_T = NN // _DR_T

_MESH = plsc.VectorSubcoreMesh(
    core_axis_name="c", subcore_axis_name="s", num_cores=NC, num_subcores=NS
)
_SC_PARAMS = pltpu.CompilerParams(use_tc_tiling_on_sc=False)


@functools.partial(
    pl.kernel,
    out_type=jax.ShapeDtypeStruct((NC, NN, 16), jnp.float32),
    mesh=_MESH,
    scratch_types=[
        pltpu.VMEM((NCHD, K), jnp.int32),
        pltpu.VMEM((K, 16), jnp.float32),
        pltpu.VMEM_SHARED((NN + 8, 16), jnp.float32),
        pltpu.SemaphoreType.DMA,
    ],
    compiler_params=_SC_PARAMS,
)
def _deg_kernel(dstp_hbm, zeros_hbm, ones_hbm, degp_hbm, dstv, onesv, shared, sem):
    cid = lax.axis_index("c")
    sid = lax.axis_index("s")

    @pl.when(sid < _DR_T)
    def _init():
        pltpu.sync_copy(zeros_hbm, shared.at[pl.ds(sid * _ROWS_T, _ROWS_T)])

    pltpu.sync_copy(ones_hbm, onesv)
    pltpu.sync_copy(dstp_hbm.at[pl.ds((cid * NS + sid) * NCHD, NCHD)], dstv)
    plsc.subcore_barrier()

    def body(i, carry):
        pltpu.async_copy(onesv, shared.at[dstv.at[i]], sem, add=True)

        @pl.when(i > 0)
        def _():
            pltpu.make_async_copy(onesv, shared.at[dstv.at[i - 1]], sem).wait()

        return carry

    lax.fori_loop(0, NCHD, body, 0)
    pltpu.make_async_copy(onesv, shared.at[dstv.at[NCHD - 1]], sem).wait()
    plsc.subcore_barrier()

    @pl.when(sid < _DR_T)
    def _drain():
        stripe = pl.ds(sid * _ROWS_T, _ROWS_T)
        pltpu.sync_copy(shared.at[stripe], degp_hbm.at[cid, stripe])


def _make_agg_kernel(d2, nch):
    @functools.partial(
        pl.kernel,
        out_type=jax.ShapeDtypeStruct((NC, NN, d2), jnp.float32),
        mesh=_MESH,
        scratch_types=[
            pltpu.VMEM((nch, K), jnp.int32),
            pltpu.VMEM((nch, K), jnp.int32),
            [pltpu.VMEM((K, d2), jnp.float32) for _ in range(NBUF)],
            pltpu.VMEM_SHARED((NN + 8, d2), jnp.float32),
            pltpu.SemaphoreType.DMA,
            pltpu.SemaphoreType.DMA,
        ],
        compiler_params=_SC_PARAMS,
    )
    def _agg(y_hbm, srcp_hbm, dstp_hbm, zeros_hbm, aggp_hbm,
             srcv, dstv, bufs, shared, sem_g, sem_s):
        cid = lax.axis_index("c")
        sid = lax.axis_index("s")

        @pl.when(sid < _DR_T)
        def _init():
            pltpu.sync_copy(zeros_hbm, shared.at[pl.ds(sid * _ROWS_T, _ROWS_T)])

        row0 = (cid * NS + sid) * nch
        pltpu.sync_copy(srcp_hbm.at[pl.ds(row0, nch)], srcv)
        pltpu.sync_copy(dstp_hbm.at[pl.ds(row0, nch)], dstv)
        plsc.subcore_barrier()

        for b in range(NBUF):
            pltpu.async_copy(y_hbm.at[srcv.at[b]], bufs[b], sem_g)

        def outer(g, carry):
            for b in range(NBUF):
                i = g * NBUF + b
                pltpu.make_async_copy(y_hbm.at[srcv.at[i]], bufs[b], sem_g).wait()
                pltpu.async_copy(bufs[b], shared.at[dstv.at[i]], sem_s, add=True)

                bprev = (b - SDEPTH) % NBUF

                def _retire_and_refill():
                    pltpu.make_async_copy(
                        bufs[bprev], shared.at[dstv.at[i - SDEPTH]], sem_s
                    ).wait()

                    @pl.when(i - SDEPTH + NBUF < nch)
                    def _():
                        pltpu.async_copy(
                            y_hbm.at[srcv.at[i - SDEPTH + NBUF]], bufs[bprev],
                            sem_g,
                        )

                if b < SDEPTH:
                    pl.when(i >= SDEPTH)(_retire_and_refill)
                else:
                    _retire_and_refill()
            return carry

        lax.fori_loop(0, nch // NBUF, outer, 0)
        for j in range(nch - SDEPTH, nch):
            pltpu.make_async_copy(
                bufs[j % NBUF], shared.at[dstv.at[j]], sem_s
            ).wait()
        plsc.subcore_barrier()

        @pl.when(sid < _DR_T)
        def _drain():
            stripe = pl.ds(sid * _ROWS_T, _ROWS_T)
            pltpu.sync_copy(shared.at[stripe], aggp_hbm.at[cid, stripe])

    return _agg


_agg64 = _make_agg_kernel(64, NCH)
_agg32 = _make_agg_kernel(32, NCHD)


_RB = 1000


def _pre_body(x_ref, w_ref, da_ref, db_ref, ys_ref, dis_ref):
    deg = da_ref[0][:, 0:1] + db_ref[0][:, 0:1] + 1.0
    dis = lax.rsqrt(deg)
    xw = jnp.dot(x_ref[:], w_ref[:], preferred_element_type=jnp.float32)
    y = xw * dis
    ys_ref[0] = y[:, :64]
    ys_ref[1] = y[:, 64:]
    dis_ref[:] = jnp.broadcast_to(dis, (_RB, 8))


def _pre_kernel(x, w1, degp):
    return pl.pallas_call(
        _pre_body,
        grid=(NN // _RB,),
        in_specs=[
            pl.BlockSpec((_RB, DIN), lambda i: (i, 0)),
            pl.BlockSpec((DIN, DHID), lambda i: (0, 0)),
            pl.BlockSpec((1, _RB, 16), lambda i: (0, i, 0)),
            pl.BlockSpec((1, _RB, 16), lambda i: (1, i, 0)),
        ],
        out_specs=[
            pl.BlockSpec((2, _RB, 64), lambda i: (0, i, 0)),
            pl.BlockSpec((_RB, 8), lambda i: (i, 0)),
        ],
        out_shape=[
            jax.ShapeDtypeStruct((2, NN, 64), jnp.float32),
            jax.ShapeDtypeStruct((NN, 8), jnp.float32),
        ],
    )(x, w1, degp, degp)


def _mid_body(aa_ref, ab_ref, ys_ref, dis_ref, b_ref, w_ref, y2_ref):
    dis = dis_ref[:, 0:1]
    agg = jnp.concatenate([aa_ref[0], ab_ref[0]], axis=1)
    y = jnp.concatenate([ys_ref[0], ys_ref[1]], axis=1)
    h = jnp.maximum(dis * (agg + y) + b_ref[:], 0.0)
    y2_ref[:] = dis * jnp.dot(h, w_ref[:], preferred_element_type=jnp.float32)


def _mid_kernel(aggp1, y1s, dis8, b1, w2):
    return pl.pallas_call(
        _mid_body,
        grid=(NN // _RB,),
        in_specs=[
            pl.BlockSpec((1, _RB, 64), lambda i: (0, i, 0)),
            pl.BlockSpec((1, _RB, 64), lambda i: (1, i, 0)),
            pl.BlockSpec((2, _RB, 64), lambda i: (0, i, 0)),
            pl.BlockSpec((_RB, 8), lambda i: (i, 0)),
            pl.BlockSpec((1, DHID), lambda i: (0, 0)),
            pl.BlockSpec((DHID, DOUT), lambda i: (0, 0)),
        ],
        out_specs=pl.BlockSpec((_RB, DOUT), lambda i: (i, 0)),
        out_shape=jax.ShapeDtypeStruct((NN, DOUT), jnp.float32),
    )(aggp1, aggp1, y1s, dis8, b1, w2)


def _final_body(aa_ref, ab_ref, y2_ref, dis_ref, b_ref, out_ref):
    dis = dis_ref[:, 0:1]
    agg = aa_ref[0] + ab_ref[0]
    z = dis * (agg + y2_ref[:]) + b_ref[:]
    m = jnp.max(z, axis=1, keepdims=True)
    s = jnp.sum(jnp.exp(z - m), axis=1, keepdims=True)
    out_ref[:] = z - m - jnp.log(s)


def _final_kernel(aggp2, y2, dis8, b2):
    return pl.pallas_call(
        _final_body,
        grid=(NN // _RB,),
        in_specs=[
            pl.BlockSpec((1, _RB, DOUT), lambda i: (0, i, 0)),
            pl.BlockSpec((1, _RB, DOUT), lambda i: (1, i, 0)),
            pl.BlockSpec((_RB, DOUT), lambda i: (i, 0)),
            pl.BlockSpec((_RB, 8), lambda i: (i, 0)),
            pl.BlockSpec((1, DOUT), lambda i: (0, 0)),
        ],
        out_specs=pl.BlockSpec((_RB, DOUT), lambda i: (i, 0)),
        out_shape=jax.ShapeDtypeStruct((NN, DOUT), jnp.float32),
    )(aggp2, aggp2, y2, dis8, b2)


def kernel(x, W1, b1, W2, b2, edge_index):
    src = edge_index[0].astype(jnp.int32)
    dst = edge_index[1].astype(jnp.int32)

    zpad = jnp.zeros((_PAD,), jnp.int32)
    tpad = jnp.full((_PAD,), NN, jnp.int32)
    srcp = jnp.concatenate(
        [src, zpad, src + NN, zpad]).reshape(NC * NS * NCH, K)
    dstp = jnp.concatenate(
        [dst, tpad, dst, tpad]).reshape(NC * NS * NCH, K)

    zpd = jnp.full((_PAD_D,), NN, jnp.int32)
    spd = jnp.zeros((_PAD_D,), jnp.int32)
    dstpd = jnp.concatenate(
        [dst[: NE // NC], zpd, dst[NE // NC:], zpd]).reshape(NC * NS * NCHD, K)
    srcpd = jnp.concatenate(
        [src[: NE // NC], spd, src[NE // NC:], spd]).reshape(NC * NS * NCHD, K)

    zeros16 = jnp.zeros((_ROWS_T, 16), jnp.float32)
    zeros32 = jnp.zeros((_ROWS_T, 32), jnp.float32)
    zeros64 = jnp.zeros((_ROWS_T, 64), jnp.float32)
    ones16 = jnp.ones((K, 16), jnp.float32)

    degp = _deg_kernel(dstpd, zeros16, ones16)
    y1s, dis8 = _pre_kernel(x, W1, degp)

    aggp1 = _agg64(y1s.reshape(2 * NN, 64), srcp, dstp, zeros64)
    y2 = _mid_kernel(aggp1, y1s, dis8, b1[None, :], W2)

    aggp2 = _agg32(y2, srcpd, dstpd, zeros32)
    return _final_kernel(aggp2, y2, dis8, b2[None, :])

# --- scband reference (transcript-rebuilt; emitter-appended) ---
"""Pipeline reference for scband-gcn-10840497455133 (READ-ONLY COPY).

The authoritative reference and input builder live on the scoring server;
editing this copy changes nothing except your own understanding.
"""

import jax, jax.numpy as jnp
import numpy as np

N_NODES = 10000
D_IN = 128
D_HID = 128
D_OUT = 32
N_EDGES = 320000


def gcn_conv(x, edge_index, W, b, num_nodes):
    # PyG GCNConv: add self-loops, symmetric normalization, then aggregate.
    src = edge_index[0]
    dst = edge_index[1]
    loop = jnp.arange(num_nodes, dtype=edge_index.dtype)
    src = jnp.concatenate([src, loop])
    dst = jnp.concatenate([dst, loop])
    deg = jnp.zeros((num_nodes,), dtype=x.dtype).at[dst].add(1.0)
    deg_inv_sqrt = jnp.where(deg > 0, 1.0 / jnp.sqrt(deg), 0.0)
    norm = deg_inv_sqrt[src] * deg_inv_sqrt[dst]
    xw = x @ W
    msg = xw[src] * norm[:, None]
    out = jax.ops.segment_sum(msg, dst, num_segments=num_nodes)
    return out + b


def setup_inputs(seed: int = 0) -> dict:
    key = jax.random.key(seed)
    k1, k2, k3, k4, k5, k6 = jax.random.split(key, 6)
    x = jax.random.normal(k1, (N_NODES, D_IN), dtype=jnp.float32)
    edge_index = jax.random.randint(k2, (2, N_EDGES), 0, N_NODES, dtype=jnp.int64)
    # Glorot-style init like PyG GCNConv
    W1 = jax.random.normal(k3, (D_IN, D_HID), dtype=jnp.float32) * (1.0 / np.sqrt(D_IN))
    b1 = jnp.zeros((D_HID,), dtype=jnp.float32)
    W2 = jax.random.normal(k4, (D_HID, D_OUT), dtype=jnp.float32) * (1.0 / np.sqrt(D_HID))
    b2 = jnp.zeros((D_OUT,), dtype=jnp.float32)
    return {"x": x, "W1": W1, "b1": b1, "W2": W2, "b2": b2, "edge_index": edge_index}


def reference(x, W1, b1, W2, b2, edge_index):
    h = gcn_conv(x, edge_index, W1, b1, N_NODES)
    h = jax.nn.relu(h)
    # dropout is identity in eval mode
    h = gcn_conv(h, edge_index, W2, b2, N_NODES)
    return jax.nn.log_softmax(h, axis=1)

if __name__ == "__main__":
    import jax
    _d = setup_inputs()
    print(jax.jit(kernel)(*tuple(_d.values())))

</pallas_src>

<mosaic_0001>
#map = affine_map<(d0, d1) -> (0, 0)>
#map1 = affine_map<(d0, d1) -> (0, 0, 0)>
module attributes {stable_mosaic.version = 14 : i64} {
  func.func @_deg_kernel(%arg0: i32, %arg1: i32, %arg2: memref<2560x128xi32, #tpu.memory_space<hbm>>, %arg3: memref<1000x16xf32, #tpu.memory_space<hbm>>, %arg4: memref<128x16xf32, #tpu.memory_space<hbm>>, %arg5: memref<2x10000x16xf32, #tpu.memory_space<hbm>>, %arg6: memref<80x128xi32, #tpu.memory_space<vmem>>, %arg7: memref<128x16xf32, #tpu.memory_space<vmem>>, %arg8: memref<10008x16xf32, #tpu.memory_space<vmem_shared>>, %arg9: memref<!tpu.dma_semaphore, #tpu.memory_space<semaphore_mem>>) attributes {dimension_semantics = [#tpu.dimension_semantics<core_parallel>, #tpu.dimension_semantics<subcore_parallel>], iteration_bounds = array<i64: 2, 16>, scalar_prefetch = 0 : i64, scratch_operands = 4 : i64, tpu.core_type = #tpu.core_type<sc_vector_subcore>, window_params = [{transform_indices = #map}, {transform_indices = #map}, {transform_indices = #map}, {transform_indices = #map1}]} {
    %lt3A = arith.constant 10 : i32
    %lt3A_0 = arith.cmpi slt, %arg1, %lt3A : i32
    %convert_element_type3A = arith.extui %lt3A_0 : i1 to i32
    %cond3A = arith.constant 0 : i32
    %cond3A_1 = arith.cmpi ne, %convert_element_type3A, %cond3A : i32
    scf.if %cond3A_1 {
      %mul3A_22 = arith.constant 1000 : i32
      %mul3A_23 = arith.muli %arg1, %mul3A_22 : i32
      "tpu.region"() ({
        %run_scoped3A = tpu.sem_alloc : memref<!tpu.dma_semaphore, #tpu.memory_space<semaphore_mem>>
        %dma_start3A = arith.constant 0 : i32
        %dma_start3A_24 = tpu.memref_slice %arg8[%mul3A_23, %dma_start3A] : memref<10008x16xf32, #tpu.memory_space<vmem_shared>> -> memref<1000x16xf32, #tpu.memory_space<vmem_shared>>
        tpu.enqueue_dma source(%arg3 : memref<1000x16xf32, #tpu.memory_space<hbm>>) target(%dma_start3A_24 : memref<1000x16xf32, #tpu.memory_space<vmem_shared>>) target_semaphore(%run_scoped3A : memref<!tpu.dma_semaphore, #tpu.memory_space<semaphore_mem>>)
        %dma_wait3A_25 = arith.constant 0 : i32
        %dma_wait3A_26 = tpu.memref_slice %arg8[%mul3A_23, %dma_wait3A_25] : memref<10008x16xf32, #tpu.memory_space<vmem_shared>> -> memref<1000x16xf32, #tpu.memory_space<vmem_shared>>
        tpu.wait_dma2 semaphore(%run_scoped3A : memref<!tpu.dma_semaphore, #tpu.memory_space<semaphore_mem>>) src(%arg3 : memref<1000x16xf32, #tpu.memory_space<hbm>>) dst(%dma_wait3A_26 : memref<1000x16xf32, #tpu.memory_space<vmem_shared>>)
        tpu.yield
      }) : () -> ()
    } else {
    }
    "tpu.region"() ({
      %run_scoped3A = tpu.sem_alloc : memref<!tpu.dma_semaphore, #tpu.memory_space<semaphore_mem>>
      tpu.enqueue_dma source(%arg4 : memref<128x16xf32, #tpu.memory_space<hbm>>) target(%arg7 : memref<128x16xf32, #tpu.memory_space<vmem>>) target_semaphore(%run_scoped3A : memref<!tpu.dma_semaphore, #tpu.memory_space<semaphore_mem>>)
      tpu.wait_dma2 semaphore(%run_scoped3A : memref<!tpu.dma_semaphore, #tpu.memory_space<semaphore_mem>>) src(%arg4 : memref<128x16xf32, #tpu.memory_space<hbm>>) dst(%arg7 : memref<128x16xf32, #tpu.memory_space<vmem>>)
      tpu.yield
    }) : () -> ()
    %mul3A = arith.constant 16 : i32
    %mul3A_2 = arith.muli %arg0, %mul3A : i32
    %add3A = arith.addi %mul3A_2, %arg1 : i32
    %mul3A_3 = arith.constant 80 : i32
    %mul3A_4 = arith.muli %add3A, %mul3A_3 : i32
    "tpu.region"() ({
      %run_scoped3A = tpu.sem_alloc : memref<!tpu.dma_semaphore, #tpu.memory_space<semaphore_mem>>
      %dma_start3A = arith.constant 0 : i32
      %dma_start3A_22 = tpu.memref_slice %arg2[%mul3A_4, %dma_start3A] : memref<2560x128xi32, #tpu.memory_space<hbm>> -> memref<80x128xi32, #tpu.memory_space<hbm>>
      %dma_start3A_23 = arith.constant 0 : i32
      %dma_start3A_24 = tpu.memref_slice %arg2[%mul3A_4, %dma_start3A_23] : memref<2560x128xi32, #tpu.memory_space<hbm>> -> memref<80x128xi32, #tpu.memory_space<hbm>>
      tpu.enqueue_dma source(%dma_start3A_24 : memref<80x128xi32, #tpu.memory_space<hbm>>) target(%arg6 : memref<80x128xi32, #tpu.memory_space<vmem>>) target_semaphore(%run_scoped3A : memref<!tpu.dma_semaphore, #tpu.memory_space<semaphore_mem>>)
      %dma_wait3A_25 = arith.constant 0 : i32
      %dma_wait3A_26 = tpu.memref_slice %arg2[%mul3A_4, %dma_wait3A_25] : memref<2560x128xi32, #tpu.memory_space<hbm>> -> memref<80x128xi32, #tpu.memory_space<hbm>>
      %dma_wait3A_27 = arith.constant 0 : i32
      %dma_wait3A_28 = tpu.memref_slice %arg2[%mul3A_4, %dma_wait3A_27] : memref<2560x128xi32, #tpu.memory_space<hbm>> -> memref<80x128xi32, #tpu.memory_space<hbm>>
      tpu.wait_dma2 semaphore(%run_scoped3A : memref<!tpu.dma_semaphore, #tpu.memory_space<semaphore_mem>>) src(%dma_wait3A_28 : memref<80x128xi32, #tpu.memory_space<hbm>>) dst(%arg6 : memref<80x128xi32, #tpu.memory_space<vmem>>)
      tpu.yield
    }) : () -> ()
    %barrier3A = arith.constant 0 : index
    tpu.barrier barrier_id(%barrier3A)
    %scan3A = arith.constant 0 : i32
    %scan3A_5 = arith.constant 0 : i32
    %scan3A_6 = arith.constant 80 : i32
    %scan3A_7 = arith.addi %scan3A_5, %scan3A_6 : i32
    %scan3A_8 = arith.constant 1 : i32
    scf.for %scan3A_22 = %scan3A_5 to %scan3A_7 step %scan3A_8  : i32 {
      %dma_start3A = arith.constant 0 : i32
      %dma_start3A_23 = tpu.memref_slice %arg6[%scan3A_22, %dma_start3A] : memref<80x128xi32, #tpu.memory_space<vmem>> -> memref<1x128xi32, #tpu.memory_space<vmem>>
      %dma_start3A_24 = tpu.memref_squeeze %dma_start3A_23 : memref<1x128xi32, #tpu.memory_space<vmem>> -> memref<128xi32, #tpu.memory_space<vmem>>
      %dma_start3A_25 = arith.constant 0 : i32
      %dma_start3A_26 = arith.constant 0 : i32
      %dma_start3A_27 = tpu.memref_slice %arg8[%dma_start3A_25, %dma_start3A_26] : memref<10008x16xf32, #tpu.memory_space<vmem_shared>> -> memref<10008x16xf32, #tpu.memory_space<vmem_shared>>
      tpu.enqueue_indirect_dma source(%arg7 : memref<128x16xf32, #tpu.memory_space<vmem>>) target(%dma_start3A_27 : memref<10008x16xf32, #tpu.memory_space<vmem_shared>>) offsets(%dma_start3A_24 : memref<128xi32, #tpu.memory_space<vmem>>) semaphore(%arg9 : memref<!tpu.dma_semaphore, #tpu.memory_space<semaphore_mem>>) {add = true}
      %gt3A = arith.constant 0 : i32
      %gt3A_28 = arith.cmpi sgt, %scan3A_22, %gt3A : i32
      %convert_element_type3A_29 = arith.extui %gt3A_28 : i1 to i32
      %cond3A_30 = arith.constant 0 : i32
      %cond3A_31 = arith.cmpi ne, %convert_element_type3A_29, %cond3A_30 : i32
      scf.if %cond3A_31 {
        %sub3A = arith.constant 1 : i32
        %sub3A_32 = arith.subi %scan3A_22, %sub3A : i32
        %dma_wait3A_33 = arith.constant 0 : i32
        %dma_wait3A_34 = tpu.memref_slice %arg6[%sub3A_32, %dma_wait3A_33] : memref<80x128xi32, #tpu.memory_space<vmem>> -> memref<1x128xi32, #tpu.memory_space<vmem>>
        %dma_wait3A_35 = tpu.memref_squeeze %dma_wait3A_34 : memref<1x128xi32, #tpu.memory_space<vmem>> -> memref<128xi32, #tpu.memory_space<vmem>>
        %dma_wait3A_36 = arith.constant 0 : i32
        %dma_wait3A_37 = arith.constant 0 : i32
        %dma_wait3A_38 = tpu.memref_slice %arg8[%dma_wait3A_36, %dma_wait3A_37] : memref<10008x16xf32, #tpu.memory_space<vmem_shared>> -> memref<10008x16xf32, #tpu.memory_space<vmem_shared>>
        tpu.wait_indirect_dma semaphore(%arg9 : memref<!tpu.dma_semaphore, #tpu.memory_space<semaphore_mem>>) src(%arg7 : memref<128x16xf32, #tpu.memory_space<vmem>>) dst(%dma_wait3A_38 : memref<10008x16xf32, #tpu.memory_space<vmem_shared>>)
      } else {
      }
    }
    %scan3A_9 = arith.constant 80 : i32
    %dma_wait3A = arith.constant 79 : i32
    %dma_wait3A_10 = arith.constant 0 : i32
    %dma_wait3A_11 = tpu.memref_slice %arg6[%dma_wait3A, %dma_wait3A_10] : memref<80x128xi32, #tpu.memory_space<vmem>> -> memref<1x128xi32, #tpu.memory_space<vmem>>
    %dma_wait3A_12 = tpu.memref_squeeze %dma_wait3A_11 : memref<1x128xi32, #tpu.memory_space<vmem>> -> memref<128xi32, #tpu.memory_space<vmem>>
    %dma_wait3A_13 = arith.constant 0 : i32
    %dma_wait3A_14 = arith.constant 0 : i32
    %dma_wait3A_15 = tpu.memref_slice %arg8[%dma_wait3A_13, %dma_wait3A_14] : memref<10008x16xf32, #tpu.memory_space<vmem_shared>> -> memref<10008x16xf32, #tpu.memory_space<vmem_shared>>
    tpu.wait_indirect_dma semaphore(%arg9 : memref<!tpu.dma_semaphore, #tpu.memory_space<semaphore_mem>>) src(%arg7 : memref<128x16xf32, #tpu.memory_space<vmem>>) dst(%dma_wait3A_15 : memref<10008x16xf32, #tpu.memory_space<vmem_shared>>)
    %barrier3A_16 = arith.constant 0 : index
    tpu.barrier barrier_id(%barrier3A_16)
    %lt3A_17 = arith.constant 10 : i32
    %lt3A_18 = arith.cmpi slt, %arg1, %lt3A_17 : i32
    %convert_element_type3A_19 = arith.extui %lt3A_18 : i1 to i32
    %cond3A_20 = arith.constant 0 : i32
    %cond3A_21 = arith.cmpi ne, %convert_element_type3A_19, %cond3A_20 : i32
    scf.if %cond3A_21 {
      %mul3A_22 = arith.constant 1000 : i32
      %mul3A_23 = arith.muli %arg1, %mul3A_22 : i32
      "tpu.region"() ({
        %run_scoped3A = tpu.sem_alloc : memref<!tpu.dma_semaphore, #tpu.memory_space<semaphore_mem>>
        %dma_start3A = arith.constant 0 : i32
        %dma_start3A_24 = tpu.memref_slice %arg5[%arg0, %mul3A_23, %dma_start3A] : memref<2x10000x16xf32, #tpu.memory_space<hbm>> -> memref<1x1000x16xf32, #tpu.memory_space<hbm>>
        %dma_start3A_25 = tpu.memref_squeeze %dma_start3A_24 : memref<1x1000x16xf32, #tpu.memory_space<hbm>> -> memref<1000x16xf32, #tpu.memory_space<hbm>>
        %dma_start3A_26 = arith.constant 0 : i32
        %dma_start3A_27 = tpu.memref_slice %arg8[%mul3A_23, %dma_start3A_26] : memref<10008x16xf32, #tpu.memory_space<vmem_shared>> -> memref<1000x16xf32, #tpu.memory_space<vmem_shared>>
        tpu.enqueue_dma source(%dma_start3A_27 : memref<1000x16xf32, #tpu.memory_space<vmem_shared>>) target(%dma_start3A_25 : memref<1000x16xf32, #tpu.memory_space<hbm>>) target_semaphore(%run_scoped3A : memref<!tpu.dma_semaphore, #tpu.memory_space<semaphore_mem>>)
        %dma_wait3A_28 = arith.constant 0 : i32
        %dma_wait3A_29 = tpu.memref_slice %arg5[%arg0, %mul3A_23, %dma_wait3A_28] : memref<2x10000x16xf32, #tpu.memory_space<hbm>> -> memref<1x1000x16xf32, #tpu.memory_space<hbm>>
        %dma_wait3A_30 = tpu.memref_squeeze %dma_wait3A_29 : memref<1x1000x16xf32, #tpu.memory_space<hbm>> -> memref<1000x16xf32, #tpu.memory_space<hbm>>
        %dma_wait3A_31 = arith.constant 0 : i32
        %dma_wait3A_32 = tpu.memref_slice %arg8[%mul3A_23, %dma_wait3A_31] : memref<10008x16xf32, #tpu.memory_space<vmem_shared>> -> memref<1000x16xf32, #tpu.memory_space<vmem_shared>>
        tpu.wait_dma2 semaphore(%run_scoped3A : memref<!tpu.dma_semaphore, #tpu.memory_space<semaphore_mem>>) src(%dma_wait3A_32 : memref<1000x16xf32, #tpu.memory_space<vmem_shared>>) dst(%dma_wait3A_30 : memref<1000x16xf32, #tpu.memory_space<hbm>>)
        tpu.yield
      }) : () -> ()
    } else {
    }
    return
  }
}

#map = affine_map<(d0, d1) -> (0, 0)>
#map1 = affine_map<(d0, d1) -> (0, 0, 0)>
module attributes {stable_mosaic.version = 14 : i64} {
  func.func @_agg(%arg0: i32, %arg1: i32, %arg2: memref<20000x64xf32, #tpu.memory_space<hbm>>, %arg3: memref<5120x128xi32, #tpu.memory_space<hbm>>, %arg4: memref<5120x128xi32, #tpu.memory_space<hbm>>, %arg5: memref<1000x64xf32, #tpu.memory_space<hbm>>, %arg6: memref<2x10000x64xf32, #tpu.memory_space<hbm>>, %arg7: memref<160x128xi32, #tpu.memory_space<vmem>>, %arg8: memref<160x128xi32, #tpu.memory_space<vmem>>, %arg9: memref<128x64xf32, #tpu.memory_space<vmem>>, %arg10: memref<128x64xf32, #tpu.memory_space<vmem>>, %arg11: memref<128x64xf32, #tpu.memory_space<vmem>>, %arg12: memref<128x64xf32, #tpu.memory_space<vmem>>, %arg13: memref<10008x64xf32, #tpu.memory_space<vmem_shared>>, %arg14: memref<!tpu.dma_semaphore, #tpu.memory_space<semaphore_mem>>, %arg15: memref<!tpu.dma_semaphore, #tpu.memory_space<semaphore_mem>>) attributes {dimension_semantics = [#tpu.dimension_semantics<core_parallel>, #tpu.dimension_semantics<subcore_parallel>], iteration_bounds = array<i64: 2, 16>, scalar_prefetch = 0 : i64, scratch_operands = 9 : i64, tpu.core_type = #tpu.core_type<sc_vector_subcore>, window_params = [{transform_indices = #map}, {transform_indices = #map}, {transform_indices = #map}, {transform_indices = #map}, {transform_indices = #map1}]} {
    %lt3A = arith.constant 10 : i32
    %lt3A_0 = arith.cmpi slt, %arg1, %lt3A : i32
    %convert_element_type3A = arith.extui %lt3A_0 : i1 to i32
    %cond3A = arith.constant 0 : i32
    %cond3A_1 = arith.cmpi ne, %convert_element_type3A, %cond3A : i32
    scf.if %cond3A_1 {
      %mul3A_49 = arith.constant 1000 : i32
      %mul3A_50 = arith.muli %arg1, %mul3A_49 : i32
      "tpu.region"() ({
        %run_scoped3A = tpu.sem_alloc : memref<!tpu.dma_semaphore, #tpu.memory_space<semaphore_mem>>
        %dma_start3A_51 = arith.constant 0 : i32
        %dma_start3A_52 = tpu.memref_slice %arg13[%mul3A_50, %dma_start3A_51] : memref<10008x64xf32, #tpu.memory_space<vmem_shared>> -> memref<1000x64xf32, #tpu.memory_space<vmem_shared>>
        tpu.enqueue_dma source(%arg5 : memref<1000x64xf32, #tpu.memory_space<hbm>>) target(%dma_start3A_52 : memref<1000x64xf32, #tpu.memory_space<vmem_shared>>) target_semaphore(%run_scoped3A : memref<!tpu.dma_semaphore, #tpu.memory_space<semaphore_mem>>)
        %dma_wait3A_53 = arith.constant 0 : i32
        %dma_wait3A_54 = tpu.memref_slice %arg13[%mul3A_50, %dma_wait3A_53] : memref<10008x64xf32, #tpu.memory_space<vmem_shared>> -> memref<1000x64xf32, #tpu.memory_space<vmem_shared>>
        tpu.wait_dma2 semaphore(%run_scoped3A : memref<!tpu.dma_semaphore, #tpu.memory_space<semaphore_mem>>) src(%arg5 : memref<1000x64xf32, #tpu.memory_space<hbm>>) dst(%dma_wait3A_54 : memref<1000x64xf32, #tpu.memory_space<vmem_shared>>)
        tpu.yield
      }) : () -> ()
    } else {
    }
    %mul3A = arith.constant 16 : i32
    %mul3A_2 = arith.muli %arg0, %mul3A : i32
    %add3A = arith.addi %mul3A_2, %arg1 : i32
    %mul3A_3 = arith.constant 160 : i32
    %mul3A_4 = arith.muli %add3A, %mul3A_3 : i32
    "tpu.region"() ({
      %run_scoped3A = tpu.sem_alloc : memref<!tpu.dma_semaphore, #tpu.memory_space<semaphore_mem>>
      %dma_start3A_49 = arith.constant 0 : i32
      %dma_start3A_50 = tpu.memref_slice %arg3[%mul3A_4, %dma_start3A_49] : memref<5120x128xi32, #tpu.memory_space<hbm>> -> memref<160x128xi32, #tpu.memory_space<hbm>>
      %dma_start3A_51 = arith.constant 0 : i32
      %dma_start3A_52 = tpu.memref_slice %arg3[%mul3A_4, %dma_start3A_51] : memref<5120x128xi32, #tpu.memory_space<hbm>> -> memref<160x128xi32, #tpu.memory_space<hbm>>
      tpu.enqueue_dma source(%dma_start3A_52 : memref<160x128xi32, #tpu.memory_space<hbm>>) target(%arg7 : memref<160x128xi32, #tpu.memory_space<vmem>>) target_semaphore(%run_scoped3A : memref<!tpu.dma_semaphore, #tpu.memory_space<semaphore_mem>>)
      %dma_wait3A_53 = arith.constant 0 : i32
      %dma_wait3A_54 = tpu.memref_slice %arg3[%mul3A_4, %dma_wait3A_53] : memref<5120x128xi32, #tpu.memory_space<hbm>> -> memref<160x128xi32, #tpu.memory_space<hbm>>
      %dma_wait3A_55 = arith.constant 0 : i32
      %dma_wait3A_56 = tpu.memref_slice %arg3[%mul3A_4, %dma_wait3A_55] : memref<5120x128xi32, #tpu.memory_space<hbm>> -> memref<160x128xi32, #tpu.memory_space<hbm>>
      tpu.wait_dma2 semaphore(%run_scoped3A : memref<!tpu.dma_semaphore, #tpu.memory_space<semaphore_mem>>) src(%dma_wait3A_56 : memref<160x128xi32, #tpu.memory_space<hbm>>) dst(%arg7 : memref<160x128xi32, #tpu.memory_space<vmem>>)
      tpu.yield
    }) : () -> ()
    "tpu.region"() ({
      %run_scoped3A = tpu.sem_alloc : memref<!tpu.dma_semaphore, #tpu.memory_space<semaphore_mem>>
      %dma_start3A_49 = arith.constant 0 : i32
      %dma_start3A_50 = tpu.memref_slice %arg4[%mul3A_4, %dma_start3A_49] : memref<5120x128xi32, #tpu.memory_space<hbm>> -> memref<160x128xi32, #tpu.memory_space<hbm>>
      %dma_start3A_51 = arith.constant 0 : i32
      %dma_start3A_52 = tpu.memref_slice %arg4[%mul3A_4, %dma_start3A_51] : memref<5120x128xi32, #tpu.memory_space<hbm>> -> memref<160x128xi32, #tpu.memory_space<hbm>>
      tpu.enqueue_dma source(%dma_start3A_52 : memref<160x128xi32, #tpu.memory_space<hbm>>) target(%arg8 : memref<160x128xi32, #tpu.memory_space<vmem>>) target_semaphore(%run_scoped3A : memref<!tpu.dma_semaphore, #tpu.memory_space<semaphore_mem>>)
      %dma_wait3A_53 = arith.constant 0 : i32
      %dma_wait3A_54 = tpu.memref_slice %arg4[%mul3A_4, %dma_wait3A_53] : memref<5120x128xi32, #tpu.memory_space<hbm>> -> memref<160x128xi32, #tpu.memory_space<hbm>>
      %dma_wait3A_55 = arith.constant 0 : i32
      %dma_wait3A_56 = tpu.memref_slice %arg4[%mul3A_4, %dma_wait3A_55] : memref<5120x128xi32, #tpu.memory_space<hbm>> -> memref<160x128xi32, #tpu.memory_space<hbm>>
      tpu.wait_dma2 semaphore(%run_scoped3A : memref<!tpu.dma_semaphore, #tpu.memory_space<semaphore_mem>>) src(%dma_wait3A_56 : memref<160x128xi32, #tpu.memory_space<hbm>>) dst(%arg8 : memref<160x128xi32, #tpu.memory_space<vmem>>)
      tpu.yield
    }) : () -> ()
    %barrier3A = arith.constant 0 : index
    tpu.barrier barrier_id(%barrier3A)
    %dma_start3A = arith.constant 0 : i32
    %dma_start3A_5 = arith.constant 0 : i32
    %dma_start3A_6 = tpu.memref_slice %arg7[%dma_start3A, %dma_start3A_5] : memref<160x128xi32, #tpu.memory_space<vmem>> -> memref<1x128xi32, #tpu.memory_space<vmem>>
    %dma_start3A_7 = tpu.memref_squeeze %dma_start3A_6 : memref<1x128xi32, #tpu.memory_space<vmem>> -> memref<128xi32, #tpu.memory_space<vmem>>
    %dma_start3A_8 = arith.constant 0 : i32
    %dma_start3A_9 = arith.constant 0 : i32
    %dma_start3A_10 = tpu.memref_slice %arg2[%dma_start3A_8, %dma_start3A_9] : memref<20000x64xf32, #tpu.memory_space<hbm>> -> memref<20000x64xf32, #tpu.memory_space<hbm>>
    tpu.enqueue_indirect_dma source(%dma_start3A_10 : memref<20000x64xf32, #tpu.memory_space<hbm>>) target(%arg9 : memref<128x64xf32, #tpu.memory_space<vmem>>) offsets(%dma_start3A_7 : memref<128xi32, #tpu.memory_space<vmem>>) semaphore(%arg14 : memref<!tpu.dma_semaphore, #tpu.memory_space<semaphore_mem>>)
    %dma_start3A_11 = arith.constant 1 : i32
    %dma_start3A_12 = arith.constant 0 : i32
    %dma_start3A_13 = tpu.memref_slice %arg7[%dma_start3A_11, %dma_start3A_12] : memref<160x128xi32, #tpu.memory_space<vmem>> -> memref<1x128xi32, #tpu.memory_space<vmem>>
    %dma_start3A_14 = tpu.memref_squeeze %dma_start3A_13 : memref<1x128xi32, #tpu.memory_space<vmem>> -> memref<128xi32, #tpu.memory_space<vmem>>
    %dma_start3A_15 = arith.constant 0 : i32
    %dma_start3A_16 = arith.constant 0 : i32
    %dma_start3A_17 = tpu.memref_slice %arg2[%dma_start3A_15, %dma_start3A_16] : memref<20000x64xf32, #tpu.memory_space<hbm>> -> memref<20000x64xf32, #tpu.memory_space<hbm>>
    tpu.enqueue_indirect_dma source(%dma_start3A_17 : memref<20000x64xf32, #tpu.memory_space<hbm>>) target(%arg10 : memref<128x64xf32, #tpu.memory_space<vmem>>) offsets(%dma_start3A_14 : memref<128xi32, #tpu.memory_space<vmem>>) semaphore(%arg14 : memref<!tpu.dma_semaphore, #tpu.memory_space<semaphore_mem>>)
    %dma_start3A_18 = arith.constant 2 : i32
    %dma_start3A_19 = arith.constant 0 : i32
    %dma_start3A_20 = tpu.memref_slice %arg7[%dma_start3A_18, %dma_start3A_19] : memref<160x128xi32, #tpu.memory_space<vmem>> -> memref<1x128xi32, #tpu.memory_space<vmem>>
    %dma_start3A_21 = tpu.memref_squeeze %dma_start3A_20 : memref<1x128xi32, #tpu.memory_space<vmem>> -> memref<128xi32, #tpu.memory_space<vmem>>
    %dma_start3A_22 = arith.constant 0 : i32
    %dma_start3A_23 = arith.constant 0 : i32
    %dma_start3A_24 = tpu.memref_slice %arg2[%dma_start3A_22, %dma_start3A_23] : memref<20000x64xf32, #tpu.memory_space<hbm>> -> memref<20000x64xf32, #tpu.memory_space<hbm>>
    tpu.enqueue_indirect_dma source(%dma_start3A_24 : memref<20000x64xf32, #tpu.memory_space<hbm>>) target(%arg11 : memref<128x64xf32, #tpu.memory_space<vmem>>) offsets(%dma_start3A_21 : memref<128xi32, #tpu.memory_space<vmem>>) semaphore(%arg14 : memref<!tpu.dma_semaphore, #tpu.memory_space<semaphore_mem>>)
    %dma_start3A_25 = arith.constant 3 : i32
    %dma_start3A_26 = arith.constant 0 : i32
    %dma_start3A_27 = tpu.memref_slice %arg7[%dma_start3A_25, %dma_start3A_26] : memref<160x128xi32, #tpu.memory_space<vmem>> -> memref<1x128xi32, #tpu.memory_space<vmem>>
    %dma_start3A_28 = tpu.memref_squeeze %dma_start3A_27 : memref<1x128xi32, #tpu.memory_space<vmem>> -> memref<128xi32, #tpu.memory_space<vmem>>
    %dma_start3A_29 = arith.constant 0 : i32
    %dma_start3A_30 = arith.constant 0 : i32
    %dma_start3A_31 = tpu.memref_slice %arg2[%dma_start3A_29, %dma_start3A_30] : memref<20000x64xf32, #tpu.memory_space<hbm>> -> memref<20000x64xf32, #tpu.memory_space<hbm>>
    tpu.enqueue_indirect_dma source(%dma_start3A_31 : memref<20000x64xf32, #tpu.memory_space<hbm>>) target(%arg12 : memref<128x64xf32, #tpu.memory_space<vmem>>) offsets(%dma_start3A_28 : memref<128xi32, #tpu.memory_space<vmem>>) semaphore(%arg14 : memref<!tpu.dma_semaphore, #tpu.memory_space<semaphore_mem>>)
    %scan3A = arith.constant 0 : i32
    %scan3A_32 = arith.constant 0 : i32
    %scan3A_33 = arith.constant 40 : i32
    %scan3A_34 = arith.addi %scan3A_32, %scan3A_33 : i32
    %scan3A_35 = arith.constant 1 : i32
    scf.for %scan3A_49 = %scan3A_32 to %scan3A_34 step %scan3A_35  : i32 {
      %mul3A_50 = arith.constant 4 : i32
      %mul3A_51 = arith.muli %scan3A_49, %mul3A_50 : i32
      %add3A_52 = arith.constant 0 : i32
      %add3A_53 = arith.addi %mul3A_51, %add3A_52 : i32
      %dma_wait3A_54 = arith.constant 0 : i32
      %dma_wait3A_55 = tpu.memref_slice %arg7[%add3A_53, %dma_wait3A_54] : memref<160x128xi32, #tpu.memory_space<vmem>> -> memref<1x128xi32, #tpu.memory_space<vmem>>
      %dma_wait3A_56 = tpu.memref_squeeze %dma_wait3A_55 : memref<1x128xi32, #tpu.memory_space<vmem>> -> memref<128xi32, #tpu.memory_space<vmem>>
      %dma_wait3A_57 = arith.constant 0 : i32
      %dma_wait3A_58 = arith.constant 0 : i32
      %dma_wait3A_59 = tpu.memref_slice %arg2[%dma_wait3A_57, %dma_wait3A_58] : memref<20000x64xf32, #tpu.memory_space<hbm>> -> memref<20000x64xf32, #tpu.memory_space<hbm>>
      tpu.wait_indirect_dma semaphore(%arg14 : memref<!tpu.dma_semaphore, #tpu.memory_space<semaphore_mem>>) src(%dma_wait3A_59 : memref<20000x64xf32, #tpu.memory_space<hbm>>) dst(%arg9 : memref<128x64xf32, #tpu.memory_space<vmem>>)
      %dma_start3A_60 = arith.constant 0 : i32
      %dma_start3A_61 = tpu.memref_slice %arg8[%add3A_53, %dma_start3A_60] : memref<160x128xi32, #tpu.memory_space<vmem>> -> memref<1x128xi32, #tpu.memory_space<vmem>>
      %dma_start3A_62 = tpu.memref_squeeze %dma_start3A_61 : memref<1x128xi32, #tpu.memory_space<vmem>> -> memref<128xi32, #tpu.memory_space<vmem>>
      %dma_start3A_63 = arith.constant 0 : i32
      %dma_start3A_64 = arith.constant 0 : i32
      %dma_start3A_65 = tpu.memref_slice %arg13[%dma_start3A_63, %dma_start3A_64] : memref<10008x64xf32, #tpu.memory_space<vmem_shared>> -> memref<10008x64xf32, #tpu.memory_space<vmem_shared>>
      tpu.enqueue_indirect_dma source(%arg9 : memref<128x64xf32, #tpu.memory_space<vmem>>) target(%dma_start3A_65 : memref<10008x64xf32, #tpu.memory_space<vmem_shared>>) offsets(%dma_start3A_62 : memref<128xi32, #tpu.memory_space<vmem>>) semaphore(%arg15 : memref<!tpu.dma_semaphore, #tpu.memory_space<semaphore_mem>>) {add = true}
      %ge3A = arith.constant 1 : i32
      %ge3A_66 = arith.cmpi sge, %add3A_53, %ge3A : i32
      %convert_element_type3A_67 = arith.extui %ge3A_66 : i1 to i32
      %cond3A_68 = arith.constant 0 : i32
      %cond3A_69 = arith.cmpi ne, %convert_element_type3A_67, %cond3A_68 : i32
      scf.if %cond3A_69 {
        %sub3A_168 = arith.constant 1 : i32
        %sub3A_169 = arith.subi %add3A_53, %sub3A_168 : i32
        %dma_wait3A_170 = arith.constant 0 : i32
        %dma_wait3A_171 = tpu.memref_slice %arg8[%sub3A_169, %dma_wait3A_170] : memref<160x128xi32, #tpu.memory_space<vmem>> -> memref<1x128xi32, #tpu.memory_space<vmem>>
        %dma_wait3A_172 = tpu.memref_squeeze %dma_wait3A_171 : memref<1x128xi32, #tpu.memory_space<vmem>> -> memref<128xi32, #tpu.memory_space<vmem>>
        %dma_wait3A_173 = arith.constant 0 : i32
        %dma_wait3A_174 = arith.constant 0 : i32
        %dma_wait3A_175 = tpu.memref_slice %arg13[%dma_wait3A_173, %dma_wait3A_174] : memref<10008x64xf32, #tpu.memory_space<vmem_shared>> -> memref<10008x64xf32, #tpu.memory_space<vmem_shared>>
        tpu.wait_indirect_dma semaphore(%arg15 : memref<!tpu.dma_semaphore, #tpu.memory_space<semaphore_mem>>) src(%arg12 : memref<128x64xf32, #tpu.memory_space<vmem>>) dst(%dma_wait3A_175 : memref<10008x64xf32, #tpu.memory_space<vmem_shared>>)
        %sub3A_176 = arith.constant 1 : i32
        %sub3A_177 = arith.subi %add3A_53, %sub3A_176 : i32
        %add3A_178 = arith.constant 4 : i32
        %add3A_179 = arith.addi %sub3A_177, %add3A_178 : i32
        %lt3A_180 = arith.constant 160 : i32
        %lt3A_181 = arith.cmpi slt, %add3A_179, %lt3A_180 : i32
        %convert_element_type3A_182 = arith.extui %lt3A_181 : i1 to i32
        %cond3A_183 = arith.constant 0 : i32
        %cond3A_184 = arith.cmpi ne, %convert_element_type3A_182, %cond3A_183 : i32
        scf.if %cond3A_184 {
          %sub3A_185 = arith.constant 1 : i32
          %sub3A_186 = arith.subi %add3A_53, %sub3A_185 : i32
          %add3A_187 = arith.constant 4 : i32
          %add3A_188 = arith.addi %sub3A_186, %add3A_187 : i32
          %dma_start3A_189 = arith.constant 0 : i32
          %dma_start3A_190 = tpu.memref_slice %arg7[%add3A_188, %dma_start3A_189] : memref<160x128xi32, #tpu.memory_space<vmem>> -> memref<1x128xi32, #tpu.memory_space<vmem>>
          %dma_start3A_191 = tpu.memref_squeeze %dma_start3A_190 : memref<1x128xi32, #tpu.memory_space<vmem>> -> memref<128xi32, #tpu.memory_space<vmem>>
          %dma_start3A_192 = arith.constant 0 : i32
          %dma_start3A_193 = arith.constant 0 : i32
          %dma_start3A_194 = tpu.memref_slice %arg2[%dma_start3A_192, %dma_start3A_193] : memref<20000x64xf32, #tpu.memory_space<hbm>> -> memref<20000x64xf32, #tpu.memory_space<hbm>>
          tpu.enqueue_indirect_dma source(%dma_start3A_194 : memref<20000x64xf32, #tpu.memory_space<hbm>>) target(%arg12 : memref<128x64xf32, #tpu.memory_space<vmem>>) offsets(%dma_start3A_191 : memref<128xi32, #tpu.memory_space<vmem>>) semaphore(%arg14 : memref<!tpu.dma_semaphore, #tpu.memory_space<semaphore_mem>>)
        } else {
        }
      } else {
      }
      %mul3A_70 = arith.constant 4 : i32
      %mul3A_71 = arith.muli %scan3A_49, %mul3A_70 : i32
      %add3A_72 = arith.constant 1 : i32
      %add3A_73 = arith.addi %mul3A_71, %add3A_72 : i32
      %dma_wait3A_74 = arith.constant 0 : i32
      %dma_wait3A_75 = tpu.memref_slice %arg7[%add3A_73, %dma_wait3A_74] : memref<160x128xi32, #tpu.memory_space<vmem>> -> memref<1x128xi32, #tpu.memory_space<vmem>>
      %dma_wait3A_76 = tpu.memref_squeeze %dma_wait3A_75 : memref<1x128xi32, #tpu.memory_space<vmem>> -> memref<128xi32, #tpu.memory_space<vmem>>
      %dma_wait3A_77 = arith.constant 0 : i32
      %dma_wait3A_78 = arith.constant 0 : i32
      %dma_wait3A_79 = tpu.memref_slice %arg2[%dma_wait3A_77, %dma_wait3A_78] : memref<20000x64xf32, #tpu.memory_space<hbm>> -> memref<20000x64xf32, #tpu.memory_space<hbm>>
      tpu.wait_indirect_dma semaphore(%arg14 : memref<!tpu.dma_semaphore, #tpu.memory_space<semaphore_mem>>) src(%dma_wait3A_79 : memref<20000x64xf32, #tpu.memory_space<hbm>>) dst(%arg10 : memref<128x64xf32, #tpu.memory_space<vmem>>)
      %dma_start3A_80 = arith.constant 0 : i32
      %dma_start3A_81 = tpu.memref_slice %arg8[%add3A_73, %dma_start3A_80] : memref<160x128xi32, #tpu.memory_space<vmem>> -> memref<1x128xi32, #tpu.memory_space<vmem>>
      %dma_start3A_82 = tpu.memref_squeeze %dma_start3A_81 : memref<1x128xi32, #tpu.memory_space<vmem>> -> memref<128xi32, #tpu.memory_space<vmem>>
      %dma_start3A_83 = arith.constant 0 : i32
      %dma_start3A_84 = arith.constant 0 : i32
      %dma_start3A_85 = tpu.memref_slice %arg13[%dma_start3A_83, %dma_start3A_84] : memref<10008x64xf32, #tpu.memory_space<vmem_shared>> -> memref<10008x64xf32, #tpu.memory_space<vmem_shared>>
      tpu.enqueue_indirect_dma source(%arg10 : memref<128x64xf32, #tpu.memory_space<vmem>>) target(%dma_start3A_85 : memref<10008x64xf32, #tpu.memory_space<vmem_shared>>) offsets(%dma_start3A_82 : memref<128xi32, #tpu.memory_space<vmem>>) semaphore(%arg15 : memref<!tpu.dma_semaphore, #tpu.memory_space<semaphore_mem>>) {add = true}
      %sub3A = arith.constant 1 : i32
      %sub3A_86 = arith.subi %add3A_73, %sub3A : i32
      %dma_wait3A_87 = arith.constant 0 : i32
      %dma_wait3A_88 = tpu.memref_slice %arg8[%sub3A_86, %dma_wait3A_87] : memref<160x128xi32, #tpu.memory_space<vmem>> -> memref<1x128xi32, #tpu.memory_space<vmem>>
      %dma_wait3A_89 = tpu.memref_squeeze %dma_wait3A_88 : memref<1x128xi32, #tpu.memory_space<vmem>> -> memref<128xi32, #tpu.memory_space<vmem>>
      %dma_wait3A_90 = arith.constant 0 : i32
      %dma_wait3A_91 = arith.constant 0 : i32
      %dma_wait3A_92 = tpu.memref_slice %arg13[%dma_wait3A_90, %dma_wait3A_91] : memref<10008x64xf32, #tpu.memory_space<vmem_shared>> -> memref<10008x64xf32, #tpu.memory_space<vmem_shared>>
      tpu.wait_indirect_dma semaphore(%arg15 : memref<!tpu.dma_semaphore, #tpu.memory_space<semaphore_mem>>) src(%arg9 : memref<128x64xf32, #tpu.memory_space<vmem>>) dst(%dma_wait3A_92 : memref<10008x64xf32, #tpu.memory_space<vmem_shared>>)
      %sub3A_93 = arith.constant 1 : i32
      %sub3A_94 = arith.subi %add3A_73, %sub3A_93 : i32
      %add3A_95 = arith.constant 4 : i32
      %add3A_96 = arith.addi %sub3A_94, %add3A_95 : i32
      %lt3A_97 = arith.constant 160 : i32
      %lt3A_98 = arith.cmpi slt, %add3A_96, %lt3A_97 : i32
      %convert_element_type3A_99 = arith.extui %lt3A_98 : i1 to i32
      %cond3A_100 = arith.constant 0 : i32
      %cond3A_101 = arith.cmpi ne, %convert_element_type3A_99, %cond3A_100 : i32
      scf.if %cond3A_101 {
        %sub3A_168 = arith.constant 1 : i32
        %sub3A_169 = arith.subi %add3A_73, %sub3A_168 : i32
        %add3A_170 = arith.constant 4 : i32
        %add3A_171 = arith.addi %sub3A_169, %add3A_170 : i32
        %dma_start3A_172 = arith.constant 0 : i32
        %dma_start3A_173 = tpu.memref_slice %arg7[%add3A_171, %dma_start3A_172] : memref<160x128xi32, #tpu.memory_space<vmem>> -> memref<1x128xi32, #tpu.memory_space<vmem>>
        %dma_start3A_174 = tpu.memref_squeeze %dma_start3A_173 : memref<1x128xi32, #tpu.memory_space<vmem>> -> memref<128xi32, #tpu.memory_space<vmem>>
        %dma_start3A_175 = arith.constant 0 : i32
        %dma_start3A_176 = arith.constant 0 : i32
        %dma_start3A_177 = tpu.memref_slice %arg2[%dma_start3A_175, %dma_start3A_176] : memref<20000x64xf32, #tpu.memory_space<hbm>> -> memref<20000x64xf32, #tpu.memory_space<hbm>>
        tpu.enqueue_indirect_dma source(%dma_start3A_177 : memref<20000x64xf32, #tpu.memory_space<hbm>>) target(%arg9 : memref<128x64xf32, #tpu.memory_space<vmem>>) offsets(%dma_start3A_174 : memref<128xi32, #tpu.memory_space<vmem>>) semaphore(%arg14 : memref<!tpu.dma_semaphore, #tpu.memory_space<semaphore_mem>>)
      } else {
      }
      %mul3A_102 = arith.constant 4 : i32
      %mul3A_103 = arith.muli %scan3A_49, %mul3A_102 : i32
      %add3A_104 = arith.constant 2 : i32
      %add3A_105 = arith.addi %mul3A_103, %add3A_104 : i32
      %dma_wait3A_106 = arith.constant 0 : i32
      %dma_wait3A_107 = tpu.memref_slice %arg7[%add3A_105, %dma_wait3A_106] : memref<160x128xi32, #tpu.memory_space<vmem>> -> memref<1x128xi32, #tpu.memory_space<vmem>>
      %dma_wait3A_108 = tpu.memref_squeeze %dma_wait3A_107 : memref<1x128xi32, #tpu.memory_space<vmem>> -> memref<128xi32, #tpu.memory_space<vmem>>
      %dma_wait3A_109 = arith.constant 0 : i32
      %dma_wait3A_110 = arith.constant 0 : i32
      %dma_wait3A_111 = tpu.memref_slice %arg2[%dma_wait3A_109, %dma_wait3A_110] : memref<20000x64xf32, #tpu.memory_space<hbm>> -> memref<20000x64xf32, #tpu.memory_space<hbm>>
      tpu.wait_indirect_dma semaphore(%arg14 : memref<!tpu.dma_semaphore, #tpu.memory_space<semaphore_mem>>) src(%dma_wait3A_111 : memref<20000x64xf32, #tpu.memory_space<hbm>>) dst(%arg11 : memref<128x64xf32, #tpu.memory_space<vmem>>)
      %dma_start3A_112 = arith.constant 0 : i32
      %dma_start3A_113 = tpu.memref_slice %arg8[%add3A_105, %dma_start3A_112] : memref<160x128xi32, #tpu.memory_space<vmem>> -> memref<1x128xi32, #tpu.memory_space<vmem>>
      %dma_start3A_114 = tpu.memref_squeeze %dma_start3A_113 : memref<1x128xi32, #tpu.memory_space<vmem>> -> memref<128xi32, #tpu.memory_space<vmem>>
      %dma_start3A_115 = arith.constant 0 : i32
      %dma_start3A_116 = arith.constant 0 : i32
      %dma_start3A_117 = tpu.memref_slice %arg13[%dma_start3A_115, %dma_start3A_116] : memref<10008x64xf32, #tpu.memory_space<vmem_shared>> -> memref<10008x64xf32, #tpu.memory_space<vmem_shared>>
      tpu.enqueue_indirect_dma source(%arg11 : memref<128x64xf32, #tpu.memory_space<vmem>>) target(%dma_start3A_117 : memref<10008x64xf32, #tpu.memory_space<vmem_shared>>) offsets(%dma_start3A_114 : memref<128xi32, #tpu.memory_space<vmem>>) semaphore(%arg15 : memref<!tpu.dma_semaphore, #tpu.memory_space<semaphore_mem>>) {add = true}
      %sub3A_118 = arith.constant 1 : i32
      %sub3A_119 = arith.subi %add3A_105, %sub3A_118 : i32
      %dma_wait3A_120 = arith.constant 0 : i32
      %dma_wait3A_121 = tpu.memref_slice %arg8[%sub3A_119, %dma_wait3A_120] : memref<160x128xi32, #tpu.memory_space<vmem>> -> memref<1x128xi32, #tpu.memory_space<vmem>>
      %dma_wait3A_122 = tpu.memref_squeeze %dma_wait3A_121 : memref<1x128xi32, #tpu.memory_space<vmem>> -> memref<128xi32, #tpu.memory_space<vmem>>
      %dma_wait3A_123 = arith.constant 0 : i32
      %dma_wait3A_124 = arith.constant 0 : i32
      %dma_wait3A_125 = tpu.memref_slice %arg13[%dma_wait3A_123, %dma_wait3A_124] : memref<10008x64xf32, #tpu.memory_space<vmem_shared>> -> memref<10008x64xf32, #tpu.memory_space<vmem_shared>>
      tpu.wait_indirect_dma semaphore(%arg15 : memref<!tpu.dma_semaphore, #tpu.memory_space<semaphore_mem>>) src(%arg10 : memref<128x64xf32, #tpu.memory_space<vmem>>) dst(%dma_wait3A_125 : memref<10008x64xf32, #tpu.memory_space<vmem_shared>>)
      %sub3A_126 = arith.constant 1 : i32
      %sub3A_127 = arith.subi %add3A_105, %sub3A_126 : i32
      %add3A_128 = arith.constant 4 : i32
      %add3A_129 = arith.addi %sub3A_127, %add3A_128 : i32
      %lt3A_130 = arith.constant 160 : i32
      %lt3A_131 = arith.cmpi slt, %add3A_129, %lt3A_130 : i32
      %convert_element_type3A_132 = arith.extui %lt3A_131 : i1 to i32
      %cond3A_133 = arith.constant 0 : i32
      %cond3A_134 = arith.cmpi ne, %convert_element_type3A_132, %cond3A_133 : i32
      scf.if %cond3A_134 {
        %sub3A_168 = arith.constant 1 : i32
        %sub3A_169 = arith.subi %add3A_105, %sub3A_168 : i32
        %add3A_170 = arith.constant 4 : i32
        %add3A_171 = arith.addi %sub3A_169, %add3A_170 : i32
        %dma_start3A_172 = arith.constant 0 : i32
        %dma_start3A_173 = tpu.memref_slice %arg7[%add3A_171, %dma_start3A_172] : memref<160x128xi32, #tpu.memory_space<vmem>> -> memref<1x128xi32, #tpu.memory_space<vmem>>
        %dma_start3A_174 = tpu.memref_squeeze %dma_start3A_173 : memref<1x128xi32, #tpu.memory_space<vmem>> -> memref<128xi32, #tpu.memory_space<vmem>>
        %dma_start3A_175 = arith.constant 0 : i32
        %dma_start3A_176 = arith.constant 0 : i32
        %dma_start3A_177 = tpu.memref_slice %arg2[%dma_start3A_175, %dma_start3A_176] : memref<20000x64xf32, #tpu.memory_space<hbm>> -> memref<20000x64xf32, #tpu.memory_space<hbm>>
        tpu.enqueue_indirect_dma source(%dma_start3A_177 : memref<20000x64xf32, #tpu.memory_space<hbm>>) target(%arg10 : memref<128x64xf32, #tpu.memory_space<vmem>>) offsets(%dma_start3A_174 : memref<128xi32, #tpu.memory_space<vmem>>) semaphore(%arg14 : memref<!tpu.dma_semaphore, #tpu.memory_space<semaphore_mem>>)
      } else {
      }
      %mul3A_135 = arith.constant 4 : i32
      %mul3A_136 = arith.muli %scan3A_49, %mul3A_135 : i32
      %add3A_137 = arith.constant 3 : i32
      %add3A_138 = arith.addi %mul3A_136, %add3A_137 : i32
      %dma_wait3A_139 = arith.constant 0 : i32
      %dma_wait3A_140 = tpu.memref_slice %arg7[%add3A_138, %dma_wait3A_139] : memref<160x128xi32, #tpu.memory_space<vmem>> -> memref<1x128xi32, #tpu.memory_space<vmem>>
      %dma_wait3A_141 = tpu.memref_squeeze %dma_wait3A_140 : memref<1x128xi32, #tpu.memory_space<vmem>> -> memref<128xi32, #tpu.memory_space<vmem>>
      %dma_wait3A_142 = arith.constant 0 : i32
      %dma_wait3A_143 = arith.constant 0 : i32
      %dma_wait3A_144 = tpu.memref_slice %arg2[%dma_wait3A_142, %dma_wait3A_143] : memref<20000x64xf32, #tpu.memory_space<hbm>> -> memref<20000x64xf32, #tpu.memory_space<hbm>>
      tpu.wait_indirect_dma semaphore(%arg14 : memref<!tpu.dma_semaphore, #tpu.memory_space<semaphore_mem>>) src(%dma_wait3A_144 : memref<20000x64xf32, #tpu.memory_space<hbm>>) dst(%arg12 : memref<128x64xf32, #tpu.memory_space<vmem>>)
      %dma_start3A_145 = arith.constant 0 : i32
      %dma_start3A_146 = tpu.memref_slice %arg8[%add3A_138, %dma_start3A_145] : memref<160x128xi32, #tpu.memory_space<vmem>> -> memref<1x128xi32, #tpu.memory_space<vmem>>
      %dma_start3A_147 = tpu.memref_squeeze %dma_start3A_146 : memref<1x128xi32, #tpu.memory_space<vmem>> -> memref<128xi32, #tpu.memory_space<vmem>>
      %dma_start3A_148 = arith.constant 0 : i32
      %dma_start3A_149 = arith.constant 0 : i32
      %dma_start3A_150 = tpu.memref_slice %arg13[%dma_start3A_148, %dma_start3A_149] : memref<10008x64xf32, #tpu.memory_space<vmem_shared>> -> memref<10008x64xf32, #tpu.memory_space<vmem_shared>>
      tpu.enqueue_indirect_dma source(%arg12 : memref<128x64xf32, #tpu.memory_space<vmem>>) target(%dma_start3A_150 : memref<10008x64xf32, #tpu.memory_space<vmem_shared>>) offsets(%dma_start3A_147 : memref<128xi32, #tpu.memory_space<vmem>>) semaphore(%arg15 : memref<!tpu.dma_semaphore, #tpu.memory_space<semaphore_mem>>) {add = true}
      %sub3A_151 = arith.constant 1 : i32
      %sub3A_152 = arith.subi %add3A_138, %sub3A_151 : i32
      %dma_wait3A_153 = arith.constant 0 : i32
      %dma_wait3A_154 = tpu.memref_slice %arg8[%sub3A_152, %dma_wait3A_153] : memref<160x128xi32, #tpu.memory_space<vmem>> -> memref<1x128xi32, #tpu.memory_space<vmem>>
      %dma_wait3A_155 = tpu.memref_squeeze %dma_wait3A_154 : memref<1x128xi32, #tpu.memory_space<vmem>> -> memref<128xi32, #tpu.memory_space<vmem>>
      %dma_wait3A_156 = arith.constant 0 : i32
      %dma_wait3A_157 = arith.constant 0 : i32
      %dma_wait3A_158 = tpu.memref_slice %arg13[%dma_wait3A_156, %dma_wait3A_157] : memref<10008x64xf32, #tpu.memory_space<vmem_shared>> -> memref<10008x64xf32, #tpu.memory_space<vmem_shared>>
      tpu.wait_indirect_dma semaphore(%arg15 : memref<!tpu.dma_semaphore, #tpu.memory_space<semaphore_mem>>) src(%arg11 : memref<128x64xf32, #tpu.memory_space<vmem>>) dst(%dma_wait3A_158 : memref<10008x64xf32, #tpu.memory_space<vmem_shared>>)
      %sub3A_159 = arith.constant 1 : i32
      %sub3A_160 = arith.subi %add3A_138, %sub3A_159 : i32
      %add3A_161 = arith.constant 4 : i32
      %add3A_162 = arith.addi %sub3A_160, %add3A_161 : i32
      %lt3A_163 = arith.constant 160 : i32
      %lt3A_164 = arith.cmpi slt, %add3A_162, %lt3A_163 : i32
      %convert_element_type3A_165 = arith.extui %lt3A_164 : i1 to i32
      %cond3A_166 = arith.constant 0 : i32
      %cond3A_167 = arith.cmpi ne, %convert_element_type3A_165, %cond3A_166 : i32
      scf.if %cond3A_167 {
        %sub3A_168 = arith.constant 1 : i32
        %sub3A_169 = arith.subi %add3A_138, %sub3A_168 : i32
        %add3A_170 = arith.constant 4 : i32
        %add3A_171 = arith.addi %sub3A_169, %add3A_170 : i32
        %dma_start3A_172 = arith.constant 0 : i32
        %dma_start3A_173 = tpu.memref_slice %arg7[%add3A_171, %dma_start3A_172] : memref<160x128xi32, #tpu.memory_space<vmem>> -> memref<1x128xi32, #tpu.memory_space<vmem>>
        %dma_start3A_174 = tpu.memref_squeeze %dma_start3A_173 : memref<1x128xi32, #tpu.memory_space<vmem>> -> memref<128xi32, #tpu.memory_space<vmem>>
        %dma_start3A_175 = arith.constant 0 : i32
        %dma_start3A_176 = arith.constant 0 : i32
        %dma_start3A_177 = tpu.memref_slice %arg2[%dma_start3A_175, %dma_start3A_176] : memref<20000x64xf32, #tpu.memory_space<hbm>> -> memref<20000x64xf32, #tpu.memory_space<hbm>>
        tpu.enqueue_indirect_dma source(%dma_start3A_177 : memref<20000x64xf32, #tpu.memory_space<hbm>>) target(%arg11 : memref<128x64xf32, #tpu.memory_space<vmem>>) offsets(%dma_start3A_174 : memref<128xi32, #tpu.memory_space<vmem>>) semaphore(%arg14 : memref<!tpu.dma_semaphore, #tpu.memory_space<semaphore_mem>>)
      } else {
      }
    }
    %scan3A_36 = arith.constant 40 : i32
    %dma_wait3A = arith.constant 159 : i32
    %dma_wait3A_37 = arith.constant 0 : i32
    %dma_wait3A_38 = tpu.memref_slice %arg8[%dma_wait3A, %dma_wait3A_37] : memref<160x128xi32, #tpu.memory_space<vmem>> -> memref<1x128xi32, #tpu.memory_space<vmem>>
    %dma_wait3A_39 = tpu.memref_squeeze %dma_wait3A_38 : memref<1x128xi32, #tpu.memory_space<vmem>> -> memref<128xi32, #tpu.memory_space<vmem>>
    %dma_wait3A_40 = arith.constant 0 : i32
    %dma_wait3A_41 = arith.constant 0 : i32
    %dma_wait3A_42 = tpu.memref_slice %arg13[%dma_wait3A_40, %dma_wait3A_41] : memref<10008x64xf32, #tpu.memory_space<vmem_shared>> -> memref<10008x64xf32, #tpu.memory_space<vmem_shared>>
    tpu.wait_indirect_dma semaphore(%arg15 : memref<!tpu.dma_semaphore, #tpu.memory_space<semaphore_mem>>) src(%arg12 : memref<128x64xf32, #tpu.memory_space<vmem>>) dst(%dma_wait3A_42 : memref<10008x64xf32, #tpu.memory_space<vmem_shared>>)
    %barrier3A_43 = arith.constant 0 : index
    tpu.barrier barrier_id(%barrier3A_43)
    %lt3A_44 = arith.constant 10 : i32
    %lt3A_45 = arith.cmpi slt, %arg1, %lt3A_44 : i32
    %convert_element_type3A_46 = arith.extui %lt3A_45 : i1 to i32
    %cond3A_47 = arith.constant 0 : i32
    %cond3A_48 = arith.cmpi ne, %convert_element_type3A_46, %cond3A_47 : i32
    scf.if %cond3A_48 {
      %mul3A_49 = arith.constant 1000 : i32
      %mul3A_50 = arith.muli %arg1, %mul3A_49 : i32
      "tpu.region"() ({
        %run_scoped3A = tpu.sem_alloc : memref<!tpu.dma_semaphore, #tpu.memory_space<semaphore_mem>>
        %dma_start3A_51 = arith.constant 0 : i32
        %dma_start3A_52 = tpu.memref_slice %arg6[%arg0, %mul3A_50, %dma_start3A_51] : memref<2x10000x64xf32, #tpu.memory_space<hbm>> -> memref<1x1000x64xf32, #tpu.memory_space<hbm>>
        %dma_start3A_53 = tpu.memref_squeeze %dma_start3A_52 : memref<1x1000x64xf32, #tpu.memory_space<hbm>> -> memref<1000x64xf32, #tpu.memory_space<hbm>>
        %dma_start3A_54 = arith.constant 0 : i32
        %dma_start3A_55 = tpu.memref_slice %arg13[%mul3A_50, %dma_start3A_54] : memref<10008x64xf32, #tpu.memory_space<vmem_shared>> -> memref<1000x64xf32, #tpu.memory_space<vmem_shared>>
        tpu.enqueue_dma source(%dma_start3A_55 : memref<1000x64xf32, #tpu.memory_space<vmem_shared>>) target(%dma_start3A_53 : memref<1000x64xf32, #tpu.memory_space<hbm>>) target_semaphore(%run_scoped3A : memref<!tpu.dma_semaphore, #tpu.memory_space<semaphore_mem>>)
        %dma_wait3A_56 = arith.constant 0 : i32
        %dma_wait3A_57 = tpu.memref_slice %arg6[%arg0, %mul3A_50, %dma_wait3A_56] : memref<2x10000x64xf32, #tpu.memory_space<hbm>> -> memref<1x1000x64xf32, #tpu.memory_space<hbm>>
        %dma_wait3A_58 = tpu.memref_squeeze %dma_wait3A_57 : memref<1x1000x64xf32, #tpu.memory_space<hbm>> -> memref<1000x64xf32, #tpu.memory_space<hbm>>
        %dma_wait3A_59 = arith.constant 0 : i32
        %dma_wait3A_60 = tpu.memref_slice %arg13[%mul3A_50, %dma_wait3A_59] : memref<10008x64xf32, #tpu.memory_space<vmem_shared>> -> memref<1000x64xf32, #tpu.memory_space<vmem_shared>>
        tpu.wait_dma2 semaphore(%run_scoped3A : memref<!tpu.dma_semaphore, #tpu.memory_space<semaphore_mem>>) src(%dma_wait3A_60 : memref<1000x64xf32, #tpu.memory_space<vmem_shared>>) dst(%dma_wait3A_58 : memref<1000x64xf32, #tpu.memory_space<hbm>>)
        tpu.yield
      }) : () -> ()
    } else {
    }
    return
  }
}

#map = affine_map<(d0, d1) -> (0, 0)>
#map1 = affine_map<(d0, d1) -> (0, 0, 0)>
module attributes {stable_mosaic.version = 14 : i64} {
  func.func @_agg(%arg0: i32, %arg1: i32, %arg2: memref<10000x32xf32, #tpu.memory_space<hbm>>, %arg3: memref<2560x128xi32, #tpu.memory_space<hbm>>, %arg4: memref<2560x128xi32, #tpu.memory_space<hbm>>, %arg5: memref<1000x32xf32, #tpu.memory_space<hbm>>, %arg6: memref<2x10000x32xf32, #tpu.memory_space<hbm>>, %arg7: memref<80x128xi32, #tpu.memory_space<vmem>>, %arg8: memref<80x128xi32, #tpu.memory_space<vmem>>, %arg9: memref<128x32xf32, #tpu.memory_space<vmem>>, %arg10: memref<128x32xf32, #tpu.memory_space<vmem>>, %arg11: memref<128x32xf32, #tpu.memory_space<vmem>>, %arg12: memref<128x32xf32, #tpu.memory_space<vmem>>, %arg13: memref<10008x32xf32, #tpu.memory_space<vmem_shared>>, %arg14: memref<!tpu.dma_semaphore, #tpu.memory_space<semaphore_mem>>, %arg15: memref<!tpu.dma_semaphore, #tpu.memory_space<semaphore_mem>>) attributes {dimension_semantics = [#tpu.dimension_semantics<core_parallel>, #tpu.dimension_semantics<subcore_parallel>], iteration_bounds = array<i64: 2, 16>, scalar_prefetch = 0 : i64, scratch_operands = 9 : i64, tpu.core_type = #tpu.core_type<sc_vector_subcore>, window_params = [{transform_indices = #map}, {transform_indices = #map}, {transform_indices = #map}, {transform_indices = #map}, {transform_indices = #map1}]} {
    %lt3A = arith.constant 10 : i32
    %lt3A_0 = arith.cmpi slt, %arg1, %lt3A : i32
    %convert_element_type3A = arith.extui %lt3A_0 : i1 to i32
    %cond3A = arith.constant 0 : i32
    %cond3A_1 = arith.cmpi ne, %convert_element_type3A, %cond3A : i32
    scf.if %cond3A_1 {
      %mul3A_49 = arith.constant 1000 : i32
      %mul3A_50 = arith.muli %arg1, %mul3A_49 : i32
      "tpu.region"() ({
        %run_scoped3A = tpu.sem_alloc : memref<!tpu.dma_semaphore, #tpu.memory_space<semaphore_mem>>
        %dma_start3A_51 = arith.constant 0 : i32
        %dma_start3A_52 = tpu.memref_slice %arg13[%mul3A_50, %dma_start3A_51] : memref<10008x32xf32, #tpu.memory_space<vmem_shared>> -> memref<1000x32xf32, #tpu.memory_space<vmem_shared>>
        tpu.enqueue_dma source(%arg5 : memref<1000x32xf32, #tpu.memory_space<hbm>>) target(%dma_start3A_52 : memref<1000x32xf32, #tpu.memory_space<vmem_shared>>) target_semaphore(%run_scoped3A : memref<!tpu.dma_semaphore, #tpu.memory_space<semaphore_mem>>)
        %dma_wait3A_53 = arith.constant 0 : i32
        %dma_wait3A_54 = tpu.memref_slice %arg13[%mul3A_50, %dma_wait3A_53] : memref<10008x32xf32, #tpu.memory_space<vmem_shared>> -> memref<1000x32xf32, #tpu.memory_space<vmem_shared>>
        tpu.wait_dma2 semaphore(%run_scoped3A : memref<!tpu.dma_semaphore, #tpu.memory_space<semaphore_mem>>) src(%arg5 : memref<1000x32xf32, #tpu.memory_space<hbm>>) dst(%dma_wait3A_54 : memref<1000x32xf32, #tpu.memory_space<vmem_shared>>)
        tpu.yield
      }) : () -> ()
    } else {
    }
    %mul3A = arith.constant 16 : i32
    %mul3A_2 = arith.muli %arg0, %mul3A : i32
    %add3A = arith.addi %mul3A_2, %arg1 : i32
    %mul3A_3 = arith.constant 80 : i32
    %mul3A_4 = arith.muli %add3A, %mul3A_3 : i32
    "tpu.region"() ({
      %run_scoped3A = tpu.sem_alloc : memref<!tpu.dma_semaphore, #tpu.memory_space<semaphore_mem>>
      %dma_start3A_49 = arith.constant 0 : i32
      %dma_start3A_50 = tpu.memref_slice %arg3[%mul3A_4, %dma_start3A_49] : memref<2560x128xi32, #tpu.memory_space<hbm>> -> memref<80x128xi32, #tpu.memory_space<hbm>>
      %dma_start3A_51 = arith.constant 0 : i32
      %dma_start3A_52 = tpu.memref_slice %arg3[%mul3A_4, %dma_start3A_51] : memref<2560x128xi32, #tpu.memory_space<hbm>> -> memref<80x128xi32, #tpu.memory_space<hbm>>
      tpu.enqueue_dma source(%dma_start3A_52 : memref<80x128xi32, #tpu.memory_space<hbm>>) target(%arg7 : memref<80x128xi32, #tpu.memory_space<vmem>>) target_semaphore(%run_scoped3A : memref<!tpu.dma_semaphore, #tpu.memory_space<semaphore_mem>>)
      %dma_wait3A_53 = arith.constant 0 : i32
      %dma_wait3A_54 = tpu.memref_slice %arg3[%mul3A_4, %dma_wait3A_53] : memref<2560x128xi32, #tpu.memory_space<hbm>> -> memref<80x128xi32, #tpu.memory_space<hbm>>
      %dma_wait3A_55 = arith.constant 0 : i32
      %dma_wait3A_56 = tpu.memref_slice %arg3[%mul3A_4, %dma_wait3A_55] : memref<2560x128xi32, #tpu.memory_space<hbm>> -> memref<80x128xi32, #tpu.memory_space<hbm>>
      tpu.wait_dma2 semaphore(%run_scoped3A : memref<!tpu.dma_semaphore, #tpu.memory_space<semaphore_mem>>) src(%dma_wait3A_56 : memref<80x128xi32, #tpu.memory_space<hbm>>) dst(%arg7 : memref<80x128xi32, #tpu.memory_space<vmem>>)
      tpu.yield
    }) : () -> ()
    "tpu.region"() ({
      %run_scoped3A = tpu.sem_alloc : memref<!tpu.dma_semaphore, #tpu.memory_space<semaphore_mem>>
      %dma_start3A_49 = arith.constant 0 : i32
      %dma_start3A_50 = tpu.memref_slice %arg4[%mul3A_4, %dma_start3A_49] : memref<2560x128xi32, #tpu.memory_space<hbm>> -> memref<80x128xi32, #tpu.memory_space<hbm>>
      %dma_start3A_51 = arith.constant 0 : i32
      %dma_start3A_52 = tpu.memref_slice %arg4[%mul3A_4, %dma_start3A_51] : memref<2560x128xi32, #tpu.memory_space<hbm>> -> memref<80x128xi32, #tpu.memory_space<hbm>>
      tpu.enqueue_dma source(%dma_start3A_52 : memref<80x128xi32, #tpu.memory_space<hbm>>) target(%arg8 : memref<80x128xi32, #tpu.memory_space<vmem>>) target_semaphore(%run_scoped3A : memref<!tpu.dma_semaphore, #tpu.memory_space<semaphore_mem>>)
      %dma_wait3A_53 = arith.constant 0 : i32
      %dma_wait3A_54 = tpu.memref_slice %arg4[%mul3A_4, %dma_wait3A_53] : memref<2560x128xi32, #tpu.memory_space<hbm>> -> memref<80x128xi32, #tpu.memory_space<hbm>>
      %dma_wait3A_55 = arith.constant 0 : i32
      %dma_wait3A_56 = tpu.memref_slice %arg4[%mul3A_4, %dma_wait3A_55] : memref<2560x128xi32, #tpu.memory_space<hbm>> -> memref<80x128xi32, #tpu.memory_space<hbm>>
      tpu.wait_dma2 semaphore(%run_scoped3A : memref<!tpu.dma_semaphore, #tpu.memory_space<semaphore_mem>>) src(%dma_wait3A_56 : memref<80x128xi32, #tpu.memory_space<hbm>>) dst(%arg8 : memref<80x128xi32, #tpu.memory_space<vmem>>)
      tpu.yield
    }) : () -> ()
    %barrier3A = arith.constant 0 : index
    tpu.barrier barrier_id(%barrier3A)
    %dma_start3A = arith.constant 0 : i32
    %dma_start3A_5 = arith.constant 0 : i32
    %dma_start3A_6 = tpu.memref_slice %arg7[%dma_start3A, %dma_start3A_5] : memref<80x128xi32, #tpu.memory_space<vmem>> -> memref<1x128xi32, #tpu.memory_space<vmem>>
    %dma_start3A_7 = tpu.memref_squeeze %dma_start3A_6 : memref<1x128xi32, #tpu.memory_space<vmem>> -> memref<128xi32, #tpu.memory_space<vmem>>
    %dma_start3A_8 = arith.constant 0 : i32
    %dma_start3A_9 = arith.constant 0 : i32
    %dma_start3A_10 = tpu.memref_slice %arg2[%dma_start3A_8, %dma_start3A_9] : memref<10000x32xf32, #tpu.memory_space<hbm>> -> memref<10000x32xf32, #tpu.memory_space<hbm>>
    tpu.enqueue_indirect_dma source(%dma_start3A_10 : memref<10000x32xf32, #tpu.memory_space<hbm>>) target(%arg9 : memref<128x32xf32, #tpu.memory_space<vmem>>) offsets(%dma_start3A_7 : memref<128xi32, #tpu.memory_space<vmem>>) semaphore(%arg14 : memref<!tpu.dma_semaphore, #tpu.memory_space<semaphore_mem>>)
    %dma_start3A_11 = arith.constant 1 : i32
    %dma_start3A_12 = arith.constant 0 : i32
    %dma_start3A_13 = tpu.memref_slice %arg7[%dma_start3A_11, %dma_start3A_12] : memref<80x128xi32, #tpu.memory_space<vmem>> -> memref<1x128xi32, #tpu.memory_space<vmem>>
    %dma_start3A_14 = tpu.memref_squeeze %dma_start3A_13 : memref<1x128xi32, #tpu.memory_space<vmem>> -> memref<128xi32, #tpu.memory_space<vmem>>
    %dma_start3A_15 = arith.constant 0 : i32
    %dma_start3A_16 = arith.constant 0 : i32
    %dma_start3A_17 = tpu.memref_slice %arg2[%dma_start3A_15, %dma_start3A_16] : memref<10000x32xf32, #tpu.memory_space<hbm>> -> memref<10000x32xf32, #tpu.memory_space<hbm>>
    tpu.enqueue_indirect_dma source(%dma_start3A_17 : memref<10000x32xf32, #tpu.memory_space<hbm>>) target(%arg10 : memref<128x32xf32, #tpu.memory_space<vmem>>) offsets(%dma_start3A_14 : memref<128xi32, #tpu.memory_space<vmem>>) semaphore(%arg14 : memref<!tpu.dma_semaphore, #tpu.memory_space<semaphore_mem>>)
    %dma_start3A_18 = arith.constant 2 : i32
    %dma_start3A_19 = arith.constant 0 : i32
    %dma_start3A_20 = tpu.memref_slice %arg7[%dma_start3A_18, %dma_start3A_19] : memref<80x128xi32, #tpu.memory_space<vmem>> -> memref<1x128xi32, #tpu.memory_space<vmem>>
    %dma_start3A_21 = tpu.memref_squeeze %dma_start3A_20 : memref<1x128xi32, #tpu.memory_space<vmem>> -> memref<128xi32, #tpu.memory_space<vmem>>
    %dma_start3A_22 = arith.constant 0 : i32
    %dma_start3A_23 = arith.constant 0 : i32
    %dma_start3A_24 = tpu.memref_slice %arg2[%dma_start3A_22, %dma_start3A_23] : memref<10000x32xf32, #tpu.memory_space<hbm>> -> memref<10000x32xf32, #tpu.memory_space<hbm>>
    tpu.enqueue_indirect_dma source(%dma_start3A_24 : memref<10000x32xf32, #tpu.memory_space<hbm>>) target(%arg11 : memref<128x32xf32, #tpu.memory_space<vmem>>) offsets(%dma_start3A_21 : memref<128xi32, #tpu.memory_space<vmem>>) semaphore(%arg14 : memref<!tpu.dma_semaphore, #tpu.memory_space<semaphore_mem>>)
    %dma_start3A_25 = arith.constant 3 : i32
    %dma_start3A_26 = arith.constant 0 : i32
    %dma_start3A_27 = tpu.memref_slice %arg7[%dma_start3A_25, %dma_start3A_26] : memref<80x128xi32, #tpu.memory_space<vmem>> -> memref<1x128xi32, #tpu.memory_space<vmem>>
    %dma_start3A_28 = tpu.memref_squeeze %dma_start3A_27 : memref<1x128xi32, #tpu.memory_space<vmem>> -> memref<128xi32, #tpu.memory_space<vmem>>
    %dma_start3A_29 = arith.constant 0 : i32
    %dma_start3A_30 = arith.constant 0 : i32
    %dma_start3A_31 = tpu.memref_slice %arg2[%dma_start3A_29, %dma_start3A_30] : memref<10000x32xf32, #tpu.memory_space<hbm>> -> memref<10000x32xf32, #tpu.memory_space<hbm>>
    tpu.enqueue_indirect_dma source(%dma_start3A_31 : memref<10000x32xf32, #tpu.memory_space<hbm>>) target(%arg12 : memref<128x32xf32, #tpu.memory_space<vmem>>) offsets(%dma_start3A_28 : memref<128xi32, #tpu.memory_space<vmem>>) semaphore(%arg14 : memref<!tpu.dma_semaphore, #tpu.memory_space<semaphore_mem>>)
    %scan3A = arith.constant 0 : i32
    %scan3A_32 = arith.constant 0 : i32
    %scan3A_33 = arith.constant 20 : i32
    %scan3A_34 = arith.addi %scan3A_32, %scan3A_33 : i32
    %scan3A_35 = arith.constant 1 : i32
    scf.for %scan3A_49 = %scan3A_32 to %scan3A_34 step %scan3A_35  : i32 {
      %mul3A_50 = arith.constant 4 : i32
      %mul3A_51 = arith.muli %scan3A_49, %mul3A_50 : i32
      %add3A_52 = arith.constant 0 : i32
      %add3A_53 = arith.addi %mul3A_51, %add3A_52 : i32
      %dma_wait3A_54 = arith.constant 0 : i32
      %dma_wait3A_55 = tpu.memref_slice %arg7[%add3A_53, %dma_wait3A_54] : memref<80x128xi32, #tpu.memory_space<vmem>> -> memref<1x128xi32, #tpu.memory_space<vmem>>
      %dma_wait3A_56 = tpu.memref_squeeze %dma_wait3A_55 : memref<1x128xi32, #tpu.memory_space<vmem>> -> memref<128xi32, #tpu.memory_space<vmem>>
      %dma_wait3A_57 = arith.constant 0 : i32
      %dma_wait3A_58 = arith.constant 0 : i32
      %dma_wait3A_59 = tpu.memref_slice %arg2[%dma_wait3A_57, %dma_wait3A_58] : memref<10000x32xf32, #tpu.memory_space<hbm>> -> memref<10000x32xf32, #tpu.memory_space<hbm>>
      tpu.wait_indirect_dma semaphore(%arg14 : memref<!tpu.dma_semaphore, #tpu.memory_space<semaphore_mem>>) src(%dma_wait3A_59 : memref<10000x32xf32, #tpu.memory_space<hbm>>) dst(%arg9 : memref<128x32xf32, #tpu.memory_space<vmem>>)
      %dma_start3A_60 = arith.constant 0 : i32
      %dma_start3A_61 = tpu.memref_slice %arg8[%add3A_53, %dma_start3A_60] : memref<80x128xi32, #tpu.memory_space<vmem>> -> memref<1x128xi32, #tpu.memory_space<vmem>>
      %dma_start3A_62 = tpu.memref_squeeze %dma_start3A_61 : memref<1x128xi32, #tpu.memory_space<vmem>> -> memref<128xi32, #tpu.memory_space<vmem>>
      %dma_start3A_63 = arith.constant 0 : i32
      %dma_start3A_64 = arith.constant 0 : i32
      %dma_start3A_65 = tpu.memref_slice %arg13[%dma_start3A_63, %dma_start3A_64] : memref<10008x32xf32, #tpu.memory_space<vmem_shared>> -> memref<10008x32xf32, #tpu.memory_space<vmem_shared>>
      tpu.enqueue_indirect_dma source(%arg9 : memref<128x32xf32, #tpu.memory_space<vmem>>) target(%dma_start3A_65 : memref<10008x32xf32, #tpu.memory_space<vmem_shared>>) offsets(%dma_start3A_62 : memref<128xi32, #tpu.memory_space<vmem>>) semaphore(%arg15 : memref<!tpu.dma_semaphore, #tpu.memory_space<semaphore_mem>>) {add = true}
      %ge3A = arith.constant 1 : i32
      %ge3A_66 = arith.cmpi sge, %add3A_53, %ge3A : i32
      %convert_element_type3A_67 = arith.extui %ge3A_66 : i1 to i32
      %cond3A_68 = arith.constant 0 : i32
      %cond3A_69 = arith.cmpi ne, %convert_element_type3A_67, %cond3A_68 : i32
      scf.if %cond3A_69 {
        %sub3A_168 = arith.constant 1 : i32
        %sub3A_169 = arith.subi %add3A_53, %sub3A_168 : i32
        %dma_wait3A_170 = arith.constant 0 : i32
        %dma_wait3A_171 = tpu.memref_slice %arg8[%sub3A_169, %dma_wait3A_170] : memref<80x128xi32, #tpu.memory_space<vmem>> -> memref<1x128xi32, #tpu.memory_space<vmem>>
        %dma_wait3A_172 = tpu.memref_squeeze %dma_wait3A_171 : memref<1x128xi32, #tpu.memory_space<vmem>> -> memref<128xi32, #tpu.memory_space<vmem>>
        %dma_wait3A_173 = arith.constant 0 : i32
        %dma_wait3A_174 = arith.constant 0 : i32
        %dma_wait3A_175 = tpu.memref_slice %arg13[%dma_wait3A_173, %dma_wait3A_174] : memref<10008x32xf32, #tpu.memory_space<vmem_shared>> -> memref<10008x32xf32, #tpu.memory_space<vmem_shared>>
        tpu.wait_indirect_dma semaphore(%arg15 : memref<!tpu.dma_semaphore, #tpu.memory_space<semaphore_mem>>) src(%arg12 : memref<128x32xf32, #tpu.memory_space<vmem>>) dst(%dma_wait3A_175 : memref<10008x32xf32, #tpu.memory_space<vmem_shared>>)
        %sub3A_176 = arith.constant 1 : i32
        %sub3A_177 = arith.subi %add3A_53, %sub3A_176 : i32
        %add3A_178 = arith.constant 4 : i32
        %add3A_179 = arith.addi %sub3A_177, %add3A_178 : i32
        %lt3A_180 = arith.constant 80 : i32
        %lt3A_181 = arith.cmpi slt, %add3A_179, %lt3A_180 : i32
        %convert_element_type3A_182 = arith.extui %lt3A_181 : i1 to i32
        %cond3A_183 = arith.constant 0 : i32
        %cond3A_184 = arith.cmpi ne, %convert_element_type3A_182, %cond3A_183 : i32
        scf.if %cond3A_184 {
          %sub3A_185 = arith.constant 1 : i32
          %sub3A_186 = arith.subi %add3A_53, %sub3A_185 : i32
          %add3A_187 = arith.constant 4 : i32
          %add3A_188 = arith.addi %sub3A_186, %add3A_187 : i32
          %dma_start3A_189 = arith.constant 0 : i32
          %dma_start3A_190 = tpu.memref_slice %arg7[%add3A_188, %dma_start3A_189] : memref<80x128xi32, #tpu.memory_space<vmem>> -> memref<1x128xi32, #tpu.memory_space<vmem>>
          %dma_start3A_191 = tpu.memref_squeeze %dma_start3A_190 : memref<1x128xi32, #tpu.memory_space<vmem>> -> memref<128xi32, #tpu.memory_space<vmem>>
          %dma_start3A_192 = arith.constant 0 : i32
          %dma_start3A_193 = arith.constant 0 : i32
          %dma_start3A_194 = tpu.memref_slice %arg2[%dma_start3A_192, %dma_start3A_193] : memref<10000x32xf32, #tpu.memory_space<hbm>> -> memref<10000x32xf32, #tpu.memory_space<hbm>>
          tpu.enqueue_indirect_dma source(%dma_start3A_194 : memref<10000x32xf32, #tpu.memory_space<hbm>>) target(%arg12 : memref<128x32xf32, #tpu.memory_space<vmem>>) offsets(%dma_start3A_191 : memref<128xi32, #tpu.memory_space<vmem>>) semaphore(%arg14 : memref<!tpu.dma_semaphore, #tpu.memory_space<semaphore_mem>>)
        } else {
        }
      } else {
      }
      %mul3A_70 = arith.constant 4 : i32
      %mul3A_71 = arith.muli %scan3A_49, %mul3A_70 : i32
      %add3A_72 = arith.constant 1 : i32
      %add3A_73 = arith.addi %mul3A_71, %add3A_72 : i32
      %dma_wait3A_74 = arith.constant 0 : i32
      %dma_wait3A_75 = tpu.memref_slice %arg7[%add3A_73, %dma_wait3A_74] : memref<80x128xi32, #tpu.memory_space<vmem>> -> memref<1x128xi32, #tpu.memory_space<vmem>>
      %dma_wait3A_76 = tpu.memref_squeeze %dma_wait3A_75 : memref<1x128xi32, #tpu.memory_space<vmem>> -> memref<128xi32, #tpu.memory_space<vmem>>
      %dma_wait3A_77 = arith.constant 0 : i32
      %dma_wait3A_78 = arith.constant 0 : i32
      %dma_wait3A_79 = tpu.memref_slice %arg2[%dma_wait3A_77, %dma_wait3A_78] : memref<10000x32xf32, #tpu.memory_space<hbm>> -> memref<10000x32xf32, #tpu.memory_space<hbm>>
      tpu.wait_indirect_dma semaphore(%arg14 : memref<!tpu.dma_semaphore, #tpu.memory_space<semaphore_mem>>) src(%dma_wait3A_79 : memref<10000x32xf32, #tpu.memory_space<hbm>>) dst(%arg10 : memref<128x32xf32, #tpu.memory_space<vmem>>)
      %dma_start3A_80 = arith.constant 0 : i32
      %dma_start3A_81 = tpu.memref_slice %arg8[%add3A_73, %dma_start3A_80] : memref<80x128xi32, #tpu.memory_space<vmem>> -> memref<1x128xi32, #tpu.memory_space<vmem>>
      %dma_start3A_82 = tpu.memref_squeeze %dma_start3A_81 : memref<1x128xi32, #tpu.memory_space<vmem>> -> memref<128xi32, #tpu.memory_space<vmem>>
      %dma_start3A_83 = arith.constant 0 : i32
      %dma_start3A_84 = arith.constant 0 : i32
      %dma_start3A_85 = tpu.memref_slice %arg13[%dma_start3A_83, %dma_start3A_84] : memref<10008x32xf32, #tpu.memory_space<vmem_shared>> -> memref<10008x32xf32, #tpu.memory_space<vmem_shared>>
      tpu.enqueue_indirect_dma source(%arg10 : memref<128x32xf32, #tpu.memory_space<vmem>>) target(%dma_start3A_85 : memref<10008x32xf32, #tpu.memory_space<vmem_shared>>) offsets(%dma_start3A_82 : memref<128xi32, #tpu.memory_space<vmem>>) semaphore(%arg15 : memref<!tpu.dma_semaphore, #tpu.memory_space<semaphore_mem>>) {add = true}
      %sub3A = arith.constant 1 : i32
      %sub3A_86 = arith.subi %add3A_73, %sub3A : i32
      %dma_wait3A_87 = arith.constant 0 : i32
      %dma_wait3A_88 = tpu.memref_slice %arg8[%sub3A_86, %dma_wait3A_87] : memref<80x128xi32, #tpu.memory_space<vmem>> -> memref<1x128xi32, #tpu.memory_space<vmem>>
      %dma_wait3A_89 = tpu.memref_squeeze %dma_wait3A_88 : memref<1x128xi32, #tpu.memory_space<vmem>> -> memref<128xi32, #tpu.memory_space<vmem>>
      %dma_wait3A_90 = arith.constant 0 : i32
      %dma_wait3A_91 = arith.constant 0 : i32
      %dma_wait3A_92 = tpu.memref_slice %arg13[%dma_wait3A_90, %dma_wait3A_91] : memref<10008x32xf32, #tpu.memory_space<vmem_shared>> -> memref<10008x32xf32, #tpu.memory_space<vmem_shared>>
      tpu.wait_indirect_dma semaphore(%arg15 : memref<!tpu.dma_semaphore, #tpu.memory_space<semaphore_mem>>) src(%arg9 : memref<128x32xf32, #tpu.memory_space<vmem>>) dst(%dma_wait3A_92 : memref<10008x32xf32, #tpu.memory_space<vmem_shared>>)
      %sub3A_93 = arith.constant 1 : i32
      %sub3A_94 = arith.subi %add3A_73, %sub3A_93 : i32
      %add3A_95 = arith.constant 4 : i32
      %add3A_96 = arith.addi %sub3A_94, %add3A_95 : i32
      %lt3A_97 = arith.constant 80 : i32
      %lt3A_98 = arith.cmpi slt, %add3A_96, %lt3A_97 : i32
      %convert_element_type3A_99 = arith.extui %lt3A_98 : i1 to i32
      %cond3A_100 = arith.constant 0 : i32
      %cond3A_101 = arith.cmpi ne, %convert_element_type3A_99, %cond3A_100 : i32
      scf.if %cond3A_101 {
        %sub3A_168 = arith.constant 1 : i32
        %sub3A_169 = arith.subi %add3A_73, %sub3A_168 : i32
        %add3A_170 = arith.constant 4 : i32
        %add3A_171 = arith.addi %sub3A_169, %add3A_170 : i32
        %dma_start3A_172 = arith.constant 0 : i32
        %dma_start3A_173 = tpu.memref_slice %arg7[%add3A_171, %dma_start3A_172] : memref<80x128xi32, #tpu.memory_space<vmem>> -> memref<1x128xi32, #tpu.memory_space<vmem>>
        %dma_start3A_174 = tpu.memref_squeeze %dma_start3A_173 : memref<1x128xi32, #tpu.memory_space<vmem>> -> memref<128xi32, #tpu.memory_space<vmem>>
        %dma_start3A_175 = arith.constant 0 : i32
        %dma_start3A_176 = arith.constant 0 : i32
        %dma_start3A_177 = tpu.memref_slice %arg2[%dma_start3A_175, %dma_start3A_176] : memref<10000x32xf32, #tpu.memory_space<hbm>> -> memref<10000x32xf32, #tpu.memory_space<hbm>>
        tpu.enqueue_indirect_dma source(%dma_start3A_177 : memref<10000x32xf32, #tpu.memory_space<hbm>>) target(%arg9 : memref<128x32xf32, #tpu.memory_space<vmem>>) offsets(%dma_start3A_174 : memref<128xi32, #tpu.memory_space<vmem>>) semaphore(%arg14 : memref<!tpu.dma_semaphore, #tpu.memory_space<semaphore_mem>>)
      } else {
      }
      %mul3A_102 = arith.constant 4 : i32
      %mul3A_103 = arith.muli %scan3A_49, %mul3A_102 : i32
      %add3A_104 = arith.constant 2 : i32
      %add3A_105 = arith.addi %mul3A_103, %add3A_104 : i32
      %dma_wait3A_106 = arith.constant 0 : i32
      %dma_wait3A_107 = tpu.memref_slice %arg7[%add3A_105, %dma_wait3A_106] : memref<80x128xi32, #tpu.memory_space<vmem>> -> memref<1x128xi32, #tpu.memory_space<vmem>>
      %dma_wait3A_108 = tpu.memref_squeeze %dma_wait3A_107 : memref<1x128xi32, #tpu.memory_space<vmem>> -> memref<128xi32, #tpu.memory_space<vmem>>
      %dma_wait3A_109 = arith.constant 0 : i32
      %dma_wait3A_110 = arith.constant 0 : i32
      %dma_wait3A_111 = tpu.memref_slice %arg2[%dma_wait3A_109, %dma_wait3A_110] : memref<10000x32xf32, #tpu.memory_space<hbm>> -> memref<10000x32xf32, #tpu.memory_space<hbm>>
      tpu.wait_indirect_dma semaphore(%arg14 : memref<!tpu.dma_semaphore, #tpu.memory_space<semaphore_mem>>) src(%dma_wait3A_111 : memref<10000x32xf32, #tpu.memory_space<hbm>>) dst(%arg11 : memref<128x32xf32, #tpu.memory_space<vmem>>)
      %dma_start3A_112 = arith.constant 0 : i32
      %dma_start3A_113 = tpu.memref_slice %arg8[%add3A_105, %dma_start3A_112] : memref<80x128xi32, #tpu.memory_space<vmem>> -> memref<1x128xi32, #tpu.memory_space<vmem>>
      %dma_start3A_114 = tpu.memref_squeeze %dma_start3A_113 : memref<1x128xi32, #tpu.memory_space<vmem>> -> memref<128xi32, #tpu.memory_space<vmem>>
      %dma_start3A_115 = arith.constant 0 : i32
      %dma_start3A_116 = arith.constant 0 : i32
      %dma_start3A_117 = tpu.memref_slice %arg13[%dma_start3A_115, %dma_start3A_116] : memref<10008x32xf32, #tpu.memory_space<vmem_shared>> -> memref<10008x32xf32, #tpu.memory_space<vmem_shared>>
      tpu.enqueue_indirect_dma source(%arg11 : memref<128x32xf32, #tpu.memory_space<vmem>>) target(%dma_start3A_117 : memref<10008x32xf32, #tpu.memory_space<vmem_shared>>) offsets(%dma_start3A_114 : memref<128xi32, #tpu.memory_space<vmem>>) semaphore(%arg15 : memref<!tpu.dma_semaphore, #tpu.memory_space<semaphore_mem>>) {add = true}
      %sub3A_118 = arith.constant 1 : i32
      %sub3A_119 = arith.subi %add3A_105, %sub3A_118 : i32
      %dma_wait3A_120 = arith.constant 0 : i32
      %dma_wait3A_121 = tpu.memref_slice %arg8[%sub3A_119, %dma_wait3A_120] : memref<80x128xi32, #tpu.memory_space<vmem>> -> memref<1x128xi32, #tpu.memory_space<vmem>>
      %dma_wait3A_122 = tpu.memref_squeeze %dma_wait3A_121 : memref<1x128xi32, #tpu.memory_space<vmem>> -> memref<128xi32, #tpu.memory_space<vmem>>
      %dma_wait3A_123 = arith.constant 0 : i32
      %dma_wait3A_124 = arith.constant 0 : i32
      %dma_wait3A_125 = tpu.memref_slice %arg13[%dma_wait3A_123, %dma_wait3A_124] : memref<10008x32xf32, #tpu.memory_space<vmem_shared>> -> memref<10008x32xf32, #tpu.memory_space<vmem_shared>>
      tpu.wait_indirect_dma semaphore(%arg15 : memref<!tpu.dma_semaphore, #tpu.memory_space<semaphore_mem>>) src(%arg10 : memref<128x32xf32, #tpu.memory_space<vmem>>) dst(%dma_wait3A_125 : memref<10008x32xf32, #tpu.memory_space<vmem_shared>>)
      %sub3A_126 = arith.constant 1 : i32
      %sub3A_127 = arith.subi %add3A_105, %sub3A_126 : i32
      %add3A_128 = arith.constant 4 : i32
      %add3A_129 = arith.addi %sub3A_127, %add3A_128 : i32
      %lt3A_130 = arith.constant 80 : i32
      %lt3A_131 = arith.cmpi slt, %add3A_129, %lt3A_130 : i32
      %convert_element_type3A_132 = arith.extui %lt3A_131 : i1 to i32
      %cond3A_133 = arith.constant 0 : i32
      %cond3A_134 = arith.cmpi ne, %convert_element_type3A_132, %cond3A_133 : i32
      scf.if %cond3A_134 {
        %sub3A_168 = arith.constant 1 : i32
        %sub3A_169 = arith.subi %add3A_105, %sub3A_168 : i32
        %add3A_170 = arith.constant 4 : i32
        %add3A_171 = arith.addi %sub3A_169, %add3A_170 : i32
        %dma_start3A_172 = arith.constant 0 : i32
        %dma_start3A_173 = tpu.memref_slice %arg7[%add3A_171, %dma_start3A_172] : memref<80x128xi32, #tpu.memory_space<vmem>> -> memref<1x128xi32, #tpu.memory_space<vmem>>
        %dma_start3A_174 = tpu.memref_squeeze %dma_start3A_173 : memref<1x128xi32, #tpu.memory_space<vmem>> -> memref<128xi32, #tpu.memory_space<vmem>>
        %dma_start3A_175 = arith.constant 0 : i32
        %dma_start3A_176 = arith.constant 0 : i32
        %dma_start3A_177 = tpu.memref_slice %arg2[%dma_start3A_175, %dma_start3A_176] : memref<10000x32xf32, #tpu.memory_space<hbm>> -> memref<10000x32xf32, #tpu.memory_space<hbm>>
        tpu.enqueue_indirect_dma source(%dma_start3A_177 : memref<10000x32xf32, #tpu.memory_space<hbm>>) target(%arg10 : memref<128x32xf32, #tpu.memory_space<vmem>>) offsets(%dma_start3A_174 : memref<128xi32, #tpu.memory_space<vmem>>) semaphore(%arg14 : memref<!tpu.dma_semaphore, #tpu.memory_space<semaphore_mem>>)
      } else {
      }
      %mul3A_135 = arith.constant 4 : i32
      %mul3A_136 = arith.muli %scan3A_49, %mul3A_135 : i32
      %add3A_137 = arith.constant 3 : i32
      %add3A_138 = arith.addi %mul3A_136, %add3A_137 : i32
      %dma_wait3A_139 = arith.constant 0 : i32
      %dma_wait3A_140 = tpu.memref_slice %arg7[%add3A_138, %dma_wait3A_139] : memref<80x128xi32, #tpu.memory_space<vmem>> -> memref<1x128xi32, #tpu.memory_space<vmem>>
      %dma_wait3A_141 = tpu.memref_squeeze %dma_wait3A_140 : memref<1x128xi32, #tpu.memory_space<vmem>> -> memref<128xi32, #tpu.memory_space<vmem>>
      %dma_wait3A_142 = arith.constant 0 : i32
      %dma_wait3A_143 = arith.constant 0 : i32
      %dma_wait3A_144 = tpu.memref_slice %arg2[%dma_wait3A_142, %dma_wait3A_143] : memref<10000x32xf32, #tpu.memory_space<hbm>> -> memref<10000x32xf32, #tpu.memory_space<hbm>>
      tpu.wait_indirect_dma semaphore(%arg14 : memref<!tpu.dma_semaphore, #tpu.memory_space<semaphore_mem>>) src(%dma_wait3A_144 : memref<10000x32xf32, #tpu.memory_space<hbm>>) dst(%arg12 : memref<128x32xf32, #tpu.memory_space<vmem>>)
      %dma_start3A_145 = arith.constant 0 : i32
      %dma_start3A_146 = tpu.memref_slice %arg8[%add3A_138, %dma_start3A_145] : memref<80x128xi32, #tpu.memory_space<vmem>> -> memref<1x128xi32, #tpu.memory_space<vmem>>
      %dma_start3A_147 = tpu.memref_squeeze %dma_start3A_146 : memref<1x128xi32, #tpu.memory_space<vmem>> -> memref<128xi32, #tpu.memory_space<vmem>>
      %dma_start3A_148 = arith.constant 0 : i32
      %dma_start3A_149 = arith.constant 0 : i32
      %dma_start3A_150 = tpu.memref_slice %arg13[%dma_start3A_148, %dma_start3A_149] : memref<10008x32xf32, #tpu.memory_space<vmem_shared>> -> memref<10008x32xf32, #tpu.memory_space<vmem_shared>>
      tpu.enqueue_indirect_dma source(%arg12 : memref<128x32xf32, #tpu.memory_space<vmem>>) target(%dma_start3A_150 : memref<10008x32xf32, #tpu.memory_space<vmem_shared>>) offsets(%dma_start3A_147 : memref<128xi32, #tpu.memory_space<vmem>>) semaphore(%arg15 : memref<!tpu.dma_semaphore, #tpu.memory_space<semaphore_mem>>) {add = true}
      %sub3A_151 = arith.constant 1 : i32
      %sub3A_152 = arith.subi %add3A_138, %sub3A_151 : i32
      %dma_wait3A_153 = arith.constant 0 : i32
      %dma_wait3A_154 = tpu.memref_slice %arg8[%sub3A_152, %dma_wait3A_153] : memref<80x128xi32, #tpu.memory_space<vmem>> -> memref<1x128xi32, #tpu.memory_space<vmem>>
      %dma_wait3A_155 = tpu.memref_squeeze %dma_wait3A_154 : memref<1x128xi32, #tpu.memory_space<vmem>> -> memref<128xi32, #tpu.memory_space<vmem>>
      %dma_wait3A_156 = arith.constant 0 : i32
      %dma_wait3A_157 = arith.constant 0 : i32
      %dma_wait3A_158 = tpu.memref_slice %arg13[%dma_wait3A_156, %dma_wait3A_157] : memref<10008x32xf32, #tpu.memory_space<vmem_shared>> -> memref<10008x32xf32, #tpu.memory_space<vmem_shared>>
      tpu.wait_indirect_dma semaphore(%arg15 : memref<!tpu.dma_semaphore, #tpu.memory_space<semaphore_mem>>) src(%arg11 : memref<128x32xf32, #tpu.memory_space<vmem>>) dst(%dma_wait3A_158 : memref<10008x32xf32, #tpu.memory_space<vmem_shared>>)
      %sub3A_159 = arith.constant 1 : i32
      %sub3A_160 = arith.subi %add3A_138, %sub3A_159 : i32
      %add3A_161 = arith.constant 4 : i32
      %add3A_162 = arith.addi %sub3A_160, %add3A_161 : i32
      %lt3A_163 = arith.constant 80 : i32
      %lt3A_164 = arith.cmpi slt, %add3A_162, %lt3A_163 : i32
      %convert_element_type3A_165 = arith.extui %lt3A_164 : i1 to i32
      %cond3A_166 = arith.constant 0 : i32
      %cond3A_167 = arith.cmpi ne, %convert_element_type3A_165, %cond3A_166 : i32
      scf.if %cond3A_167 {
        %sub3A_168 = arith.constant 1 : i32
        %sub3A_169 = arith.subi %add3A_138, %sub3A_168 : i32
        %add3A_170 = arith.constant 4 : i32
        %add3A_171 = arith.addi %sub3A_169, %add3A_170 : i32
        %dma_start3A_172 = arith.constant 0 : i32
        %dma_start3A_173 = tpu.memref_slice %arg7[%add3A_171, %dma_start3A_172] : memref<80x128xi32, #tpu.memory_space<vmem>> -> memref<1x128xi32, #tpu.memory_space<vmem>>
        %dma_start3A_174 = tpu.memref_squeeze %dma_start3A_173 : memref<1x128xi32, #tpu.memory_space<vmem>> -> memref<128xi32, #tpu.memory_space<vmem>>
        %dma_start3A_175 = arith.constant 0 : i32
        %dma_start3A_176 = arith.constant 0 : i32
        %dma_start3A_177 = tpu.memref_slice %arg2[%dma_start3A_175, %dma_start3A_176] : memref<10000x32xf32, #tpu.memory_space<hbm>> -> memref<10000x32xf32, #tpu.memory_space<hbm>>
        tpu.enqueue_indirect_dma source(%dma_start3A_177 : memref<10000x32xf32, #tpu.memory_space<hbm>>) target(%arg11 : memref<128x32xf32, #tpu.memory_space<vmem>>) offsets(%dma_start3A_174 : memref<128xi32, #tpu.memory_space<vmem>>) semaphore(%arg14 : memref<!tpu.dma_semaphore, #tpu.memory_space<semaphore_mem>>)
      } else {
      }
    }
    %scan3A_36 = arith.constant 20 : i32
    %dma_wait3A = arith.constant 79 : i32
    %dma_wait3A_37 = arith.constant 0 : i32
    %dma_wait3A_38 = tpu.memref_slice %arg8[%dma_wait3A, %dma_wait3A_37] : memref<80x128xi32, #tpu.memory_space<vmem>> -> memref<1x128xi32, #tpu.memory_space<vmem>>
    %dma_wait3A_39 = tpu.memref_squeeze %dma_wait3A_38 : memref<1x128xi32, #tpu.memory_space<vmem>> -> memref<128xi32, #tpu.memory_space<vmem>>
    %dma_wait3A_40 = arith.constant 0 : i32
    %dma_wait3A_41 = arith.constant 0 : i32
    %dma_wait3A_42 = tpu.memref_slice %arg13[%dma_wait3A_40, %dma_wait3A_41] : memref<10008x32xf32, #tpu.memory_space<vmem_shared>> -> memref<10008x32xf32, #tpu.memory_space<vmem_shared>>
    tpu.wait_indirect_dma semaphore(%arg15 : memref<!tpu.dma_semaphore, #tpu.memory_space<semaphore_mem>>) src(%arg12 : memref<128x32xf32, #tpu.memory_space<vmem>>) dst(%dma_wait3A_42 : memref<10008x32xf32, #tpu.memory_space<vmem_shared>>)
    %barrier3A_43 = arith.constant 0 : index
    tpu.barrier barrier_id(%barrier3A_43)
    %lt3A_44 = arith.constant 10 : i32
    %lt3A_45 = arith.cmpi slt, %arg1, %lt3A_44 : i32
    %convert_element_type3A_46 = arith.extui %lt3A_45 : i1 to i32
    %cond3A_47 = arith.constant 0 : i32
    %cond3A_48 = arith.cmpi ne, %convert_element_type3A_46, %cond3A_47 : i32
    scf.if %cond3A_48 {
      %mul3A_49 = arith.constant 1000 : i32
      %mul3A_50 = arith.muli %arg1, %mul3A_49 : i32
      "tpu.region"() ({
        %run_scoped3A = tpu.sem_alloc : memref<!tpu.dma_semaphore, #tpu.memory_space<semaphore_mem>>
        %dma_start3A_51 = arith.constant 0 : i32
        %dma_start3A_52 = tpu.memref_slice %arg6[%arg0, %mul3A_50, %dma_start3A_51] : memref<2x10000x32xf32, #tpu.memory_space<hbm>> -> memref<1x1000x32xf32, #tpu.memory_space<hbm>>
        %dma_start3A_53 = tpu.memref_squeeze %dma_start3A_52 : memref<1x1000x32xf32, #tpu.memory_space<hbm>> -> memref<1000x32xf32, #tpu.memory_space<hbm>>
        %dma_start3A_54 = arith.constant 0 : i32
        %dma_start3A_55 = tpu.memref_slice %arg13[%mul3A_50, %dma_start3A_54] : memref<10008x32xf32, #tpu.memory_space<vmem_shared>> -> memref<1000x32xf32, #tpu.memory_space<vmem_shared>>
        tpu.enqueue_dma source(%dma_start3A_55 : memref<1000x32xf32, #tpu.memory_space<vmem_shared>>) target(%dma_start3A_53 : memref<1000x32xf32, #tpu.memory_space<hbm>>) target_semaphore(%run_scoped3A : memref<!tpu.dma_semaphore, #tpu.memory_space<semaphore_mem>>)
        %dma_wait3A_56 = arith.constant 0 : i32
        %dma_wait3A_57 = tpu.memref_slice %arg6[%arg0, %mul3A_50, %dma_wait3A_56] : memref<2x10000x32xf32, #tpu.memory_space<hbm>> -> memref<1x1000x32xf32, #tpu.memory_space<hbm>>
        %dma_wait3A_58 = tpu.memref_squeeze %dma_wait3A_57 : memref<1x1000x32xf32, #tpu.memory_space<hbm>> -> memref<1000x32xf32, #tpu.memory_space<hbm>>
        %dma_wait3A_59 = arith.constant 0 : i32
        %dma_wait3A_60 = tpu.memref_slice %arg13[%mul3A_50, %dma_wait3A_59] : memref<10008x32xf32, #tpu.memory_space<vmem_shared>> -> memref<1000x32xf32, #tpu.memory_space<vmem_shared>>
        tpu.wait_dma2 semaphore(%run_scoped3A : memref<!tpu.dma_semaphore, #tpu.memory_space<semaphore_mem>>) src(%dma_wait3A_60 : memref<1000x32xf32, #tpu.memory_space<vmem_shared>>) dst(%dma_wait3A_58 : memref<1000x32xf32, #tpu.memory_space<hbm>>)
        tpu.yield
      }) : () -> ()
    } else {
    }
    return
  }
}

module attributes {stable_mosaic.version = 14 : i64} {
  func.func @_pre_body(%arg0: i32, %arg1: memref<1000x128xf32, #tpu.memory_space<vmem>>, %arg2: memref<128x128xf32, #tpu.memory_space<vmem>>, %arg3: memref<1x1000x16xf32, #tpu.memory_space<vmem>>, %arg4: memref<1x1000x16xf32, #tpu.memory_space<vmem>>, %arg5: memref<2x1000x64xf32, #tpu.memory_space<vmem>>, %arg6: memref<1000x8xf32, #tpu.memory_space<vmem>>) attributes {dimension_semantics = [#tpu.dimension_semantics<arbitrary>], iteration_bounds = array<i64: 10>, scalar_prefetch = 0 : i64, scratch_operands = 0 : i64, tpu.core_type = #tpu.core_type<tc>, window_params = [{transform_indices = @transform_0, window_bounds = array<i64: 1000, 128>}, {pipeline_mode = #tpu.pipeline_mode<synchronous>, transform_indices = @transform_1, window_bounds = array<i64: 128, 128>}, {transform_indices = @transform_2, window_bounds = array<i64: 1, 1000, 16>}, {transform_indices = @transform_3, window_bounds = array<i64: 1, 1000, 16>}, {transform_indices = @transform_4, window_bounds = array<i64: 2, 1000, 64>}, {transform_indices = @transform_5, window_bounds = array<i64: 1000, 8>}]} {
    %get3A = arith.constant 0 : index
    %get3A_0 = arith.constant 0 : index
    %get3A_1 = arith.constant 0 : index
    %get3A_2 = vector.load %arg3[%get3A, %get3A_0, %get3A_1] : memref<1x1000x16xf32, #tpu.memory_space<vmem>>, vector<1x1000x16xf32>
    %get3A_3 = vector.shape_cast %get3A_2 : vector<1x1000x16xf32> to vector<1000x16xf32>
    %slice3A = vector.extract_strided_slice %get3A_3 {offsets = [0, 0], sizes = [1000, 1], strides = [1, 1]} : vector<1000x16xf32> to vector<1000x1xf32>
    %get3A_4 = arith.constant 0 : index
    %get3A_5 = arith.constant 0 : index
    %get3A_6 = arith.constant 0 : index
    %get3A_7 = vector.load %arg4[%get3A_4, %get3A_5, %get3A_6] : memref<1x1000x16xf32, #tpu.memory_space<vmem>>, vector<1x1000x16xf32>
    %get3A_8 = vector.shape_cast %get3A_7 : vector<1x1000x16xf32> to vector<1000x16xf32>
    %slice3A_9 = vector.extract_strided_slice %get3A_8 {offsets = [0, 0], sizes = [1000, 1], strides = [1, 1]} : vector<1000x16xf32> to vector<1000x1xf32>
    %add3A = arith.addf %slice3A, %slice3A_9 : vector<1000x1xf32>
    %add3A_10 = arith.constant 1.000000e+00 : f32
    %add3A_11 = vector.broadcast %add3A_10 : f32 to vector<1000x1xf32>
    %add3A_12 = arith.addf %add3A, %add3A_11 : vector<1000x1xf32>
    %rsqrt3A = math.rsqrt %add3A_12 : vector<1000x1xf32>
    %get3A_13 = arith.constant 0 : index
    %get3A_14 = arith.constant 0 : index
    %get3A_15 = vector.load %arg1[%get3A_13, %get3A_14] : memref<1000x128xf32, #tpu.memory_space<vmem>>, vector<1000x128xf32>
    %get3A_16 = arith.constant 0 : index
    %get3A_17 = arith.constant 0 : index
    %get3A_18 = vector.load %arg2[%get3A_16, %get3A_17] : memref<128x128xf32, #tpu.memory_space<vmem>>, vector<128x128xf32>
    %dot_general3A = arith.constant dense<0.000000e+00> : vector<1000x128xf32>
    %dot_general3A_19 = tpu.matmul %get3A_15, %get3A_18, %dot_general3A {dimension_numbers = #tpu.dot_dimension_numbers<[1], [0], [0], [1], [0, 0, 1, 1], [], []>, transpose_lhs_hint = false} : vector<1000x128xf32>, vector<128x128xf32>, vector<1000x128xf32> -> vector<1000x128xf32>
    %mul3A = vector.broadcast %rsqrt3A : vector<1000x1xf32> to vector<1000x128xf32>
    %mul3A_20 = arith.mulf %dot_general3A_19, %mul3A : vector<1000x128xf32>
    %slice3A_21 = vector.extract_strided_slice %mul3A_20 {offsets = [0, 0], sizes = [1000, 64], strides = [1, 1]} : vector<1000x128xf32> to vector<1000x64xf32>
    %swap3A = arith.constant 0 : index
    %swap3A_22 = arith.constant 0 : index
    %swap3A_23 = arith.constant 0 : index
    %swap3A_24 = vector.load %arg5[%swap3A, %swap3A_22, %swap3A_23] : memref<2x1000x64xf32, #tpu.memory_space<vmem>>, vector<1x1000x64xf32>
    %swap3A_25 = vector.shape_cast %swap3A_24 : vector<1x1000x64xf32> to vector<1000x64xf32>
    %swap3A_26 = vector.shape_cast %slice3A_21 : vector<1000x64xf32> to vector<1x1000x64xf32>
    tpu.vector_store %arg5[%swap3A, %swap3A_22, %swap3A_23], %swap3A_26 {strides = array<i32>} : memref<2x1000x64xf32, #tpu.memory_space<vmem>>, vector<1x1000x64xf32>,
    %slice3A_27 = vector.extract_strided_slice %mul3A_20 {offsets = [0, 64], sizes = [1000, 64], strides = [1, 1]} : vector<1000x128xf32> to vector<1000x64xf32>
    %swap3A_28 = arith.constant 1 : index
    %swap3A_29 = arith.constant 0 : index
    %swap3A_30 = arith.constant 0 : index
    %swap3A_31 = vector.load %arg5[%swap3A_28, %swap3A_29, %swap3A_30] : memref<2x1000x64xf32, #tpu.memory_space<vmem>>, vector<1x1000x64xf32>
    %swap3A_32 = vector.shape_cast %swap3A_31 : vector<1x1000x64xf32> to vector<1000x64xf32>
    %swap3A_33 = vector.shape_cast %slice3A_27 : vector<1000x64xf32> to vector<1x1000x64xf32>
    tpu.vector_store %arg5[%swap3A_28, %swap3A_29, %swap3A_30], %swap3A_33 {strides = array<i32>} : memref<2x1000x64xf32, #tpu.memory_space<vmem>>, vector<1x1000x64xf32>,
    %broadcast_in_dim3A = vector.shape_cast %rsqrt3A : vector<1000x1xf32> to vector<1000x1xf32>
    %broadcast_in_dim3A_34 = vector.broadcast %broadcast_in_dim3A : vector<1000x1xf32> to vector<1000x8xf32>
    %swap3A_35 = arith.constant 0 : index
    %swap3A_36 = arith.constant 0 : index
    %swap3A_37 = vector.load %arg6[%swap3A_35, %swap3A_36] : memref<1000x8xf32, #tpu.memory_space<vmem>>, vector<1000x8xf32>
    tpu.vector_store %arg6[%swap3A_35, %swap3A_36], %broadcast_in_dim3A_34 {strides = array<i32>} : memref<1000x8xf32, #tpu.memory_space<vmem>>, vector<1000x8xf32>,
    return
  }
  func.func @transform_0(%arg0: i32) -> (i32, i32) {
    %c0_i32 = arith.constant 0 : i32
    %c0_i32_0 = arith.constant 0 : i32
    return %arg0, %c0_i32 : i32, i32
  }
  func.func @transform_1(%arg0: i32) -> (i32, i32) {
    %c0_i32 = arith.constant 0 : i32
    %c0_i32_0 = arith.constant 0 : i32
    %c0_i32_1 = arith.constant 0 : i32
    return %c0_i32, %c0_i32_0 : i32, i32
  }
  func.func @transform_2(%arg0: i32) -> (i32, i32, i32) {
    %c0_i32 = arith.constant 0 : i32
    %c0_i32_0 = arith.constant 0 : i32
    %c0_i32_1 = arith.constant 0 : i32
    return %c0_i32, %arg0, %c0_i32_0 : i32, i32, i32
  }
  func.func @transform_3(%arg0: i32) -> (i32, i32, i32) {
    %c1_i32 = arith.constant 1 : i32
    %c0_i32 = arith.constant 0 : i32
    %c0_i32_0 = arith.constant 0 : i32
    return %c1_i32, %arg0, %c0_i32 : i32, i32, i32
  }
  func.func @transform_4(%arg0: i32) -> (i32, i32, i32) {
    %c0_i32 = arith.constant 0 : i32
    %c0_i32_0 = arith.constant 0 : i32
    %c0_i32_1 = arith.constant 0 : i32
    return %c0_i32, %arg0, %c0_i32_0 : i32, i32, i32
  }
  func.func @transform_5(%arg0: i32) -> (i32, i32) {
    %c0_i32 = arith.constant 0 : i32
    %c0_i32_0 = arith.constant 0 : i32
    return %arg0, %c0_i32 : i32, i32
  }
}

module attributes {stable_mosaic.version = 14 : i64} {
  func.func @_mid_body(%arg0: i32, %arg1: memref<1x1000x64xf32, #tpu.memory_space<vmem>>, %arg2: memref<1x1000x64xf32, #tpu.memory_space<vmem>>, %arg3: memref<2x1000x64xf32, #tpu.memory_space<vmem>>, %arg4: memref<1000x8xf32, #tpu.memory_space<vmem>>, %arg5: memref<1x128xf32, #tpu.memory_space<vmem>>, %arg6: memref<128x32xf32, #tpu.memory_space<vmem>>, %arg7: memref<1000x32xf32, #tpu.memory_space<vmem>>) attributes {dimension_semantics = [#tpu.dimension_semantics<arbitrary>], iteration_bounds = array<i64: 10>, scalar_prefetch = 0 : i64, scratch_operands = 0 : i64, tpu.core_type = #tpu.core_type<tc>, window_params = [{transform_indices = @transform_0, window_bounds = array<i64: 1, 1000, 64>}, {transform_indices = @transform_1, window_bounds = array<i64: 1, 1000, 64>}, {transform_indices = @transform_2, window_bounds = array<i64: 2, 1000, 64>}, {transform_indices = @transform_3, window_bounds = array<i64: 1000, 8>}, {pipeline_mode = #tpu.pipeline_mode<synchronous>, transform_indices = @transform_4, window_bounds = array<i64: 1, 128>}, {pipeline_mode = #tpu.pipeline_mode<synchronous>, transform_indices = @transform_5, window_bounds = array<i64: 128, 32>}, {transform_indices = @transform_6, window_bounds = array<i64: 1000, 32>}]} {
    %get3A = arith.constant 0 : index
    %get3A_0 = arith.constant 0 : index
    %get3A_1 = vector.load %arg4[%get3A, %get3A_0] : memref<1000x8xf32, #tpu.memory_space<vmem>>, vector<1000x1xf32>
    %get3A_2 = arith.constant 0 : index
    %get3A_3 = arith.constant 0 : index
    %get3A_4 = arith.constant 0 : index
    %get3A_5 = vector.load %arg1[%get3A_2, %get3A_3, %get3A_4] : memref<1x1000x64xf32, #tpu.memory_space<vmem>>, vector<1x1000x64xf32>
    %get3A_6 = vector.shape_cast %get3A_5 : vector<1x1000x64xf32> to vector<1000x64xf32>
    %get3A_7 = arith.constant 0 : index
    %get3A_8 = arith.constant 0 : index
    %get3A_9 = arith.constant 0 : index
    %get3A_10 = vector.load %arg2[%get3A_7, %get3A_8, %get3A_9] : memref<1x1000x64xf32, #tpu.memory_space<vmem>>, vector<1x1000x64xf32>
    %get3A_11 = vector.shape_cast %get3A_10 : vector<1x1000x64xf32> to vector<1000x64xf32>
    %concatenate3A = tpu.concatenate %get3A_6, %get3A_11 in 1 : vector<1000x64xf32>, vector<1000x64xf32> -> vector<1000x128xf32>
    %get3A_12 = arith.constant 0 : index
    %get3A_13 = arith.constant 0 : index
    %get3A_14 = arith.constant 0 : index
    %get3A_15 = vector.load %arg3[%get3A_12, %get3A_13, %get3A_14] : memref<2x1000x64xf32, #tpu.memory_space<vmem>>, vector<1x1000x64xf32>
    %get3A_16 = vector.shape_cast %get3A_15 : vector<1x1000x64xf32> to vector<1000x64xf32>
    %get3A_17 = arith.constant 1 : index
    %get3A_18 = arith.constant 0 : index
    %get3A_19 = arith.constant 0 : index
    %get3A_20 = vector.load %arg3[%get3A_17, %get3A_18, %get3A_19] : memref<2x1000x64xf32, #tpu.memory_space<vmem>>, vector<1x1000x64xf32>
    %get3A_21 = vector.shape_cast %get3A_20 : vector<1x1000x64xf32> to vector<1000x64xf32>
    %concatenate3A_22 = tpu.concatenate %get3A_16, %get3A_21 in 1 : vector<1000x64xf32>, vector<1000x64xf32> -> vector<1000x128xf32>
    %add3A = arith.addf %concatenate3A, %concatenate3A_22 : vector<1000x128xf32>
    %mul3A = vector.broadcast %get3A_1 : vector<1000x1xf32> to vector<1000x128xf32>
    %mul3A_23 = arith.mulf %mul3A, %add3A : vector<1000x128xf32>
    %get3A_24 = arith.constant 0 : index
    %get3A_25 = arith.constant 0 : index
    %get3A_26 = vector.load %arg5[%get3A_24, %get3A_25] : memref<1x128xf32, #tpu.memory_space<vmem>>, vector<1x128xf32>
    %add3A_27 = vector.broadcast %get3A_26 : vector<1x128xf32> to vector<1000x128xf32>
    %add3A_28 = arith.addf %mul3A_23, %add3A_27 : vector<1000x128xf32>
    %max3A = arith.constant 0.000000e+00 : f32
    %max3A_29 = vector.broadcast %max3A : f32 to vector<1000x128xf32>
    %max3A_30 = arith.maximumf %add3A_28, %max3A_29 : vector<1000x128xf32>
    %get3A_31 = arith.constant 0 : index
    %get3A_32 = arith.constant 0 : index
    %get3A_33 = vector.load %arg6[%get3A_31, %get3A_32] : memref<128x32xf32, #tpu.memory_space<vmem>>, vector<128x32xf32>
    %dot_general3A = arith.constant dense<0.000000e+00> : vector<1000x32xf32>
    %dot_general3A_34 = tpu.matmul %max3A_30, %get3A_33, %dot_general3A {dimension_numbers = #tpu.dot_dimension_numbers<[1], [0], [0], [1], [0, 0, 1, 1], [], []>, transpose_lhs_hint = false} : vector<1000x128xf32>, vector<128x32xf32>, vector<1000x32xf32> -> vector<1000x32xf32>
    %mul3A_35 = vector.broadcast %get3A_1 : vector<1000x1xf32> to vector<1000x32xf32>
    %mul3A_36 = arith.mulf %mul3A_35, %dot_general3A_34 : vector<1000x32xf32>
    %swap3A = arith.constant 0 : index
    %swap3A_37 = arith.constant 0 : index
    %swap3A_38 = vector.load %arg7[%swap3A, %swap3A_37] : memref<1000x32xf32, #tpu.memory_space<vmem>>, vector<1000x32xf32>
    tpu.vector_store %arg7[%swap3A, %swap3A_37], %mul3A_36 {strides = array<i32>} : memref<1000x32xf32, #tpu.memory_space<vmem>>, vector<1000x32xf32>,
    return
  }
  func.func @transform_0(%arg0: i32) -> (i32, i32, i32) {
    %c0_i32 = arith.constant 0 : i32
    %c0_i32_0 = arith.constant 0 : i32
    %c0_i32_1 = arith.constant 0 : i32
    return %c0_i32, %arg0, %c0_i32_0 : i32, i32, i32
  }
  func.func @transform_1(%arg0: i32) -> (i32, i32, i32) {
    %c1_i32 = arith.constant 1 : i32
    %c0_i32 = arith.constant 0 : i32
    %c0_i32_0 = arith.constant 0 : i32
    return %c1_i32, %arg0, %c0_i32 : i32, i32, i32
  }
  func.func @transform_2(%arg0: i32) -> (i32, i32, i32) {
    %c0_i32 = arith.constant 0 : i32
    %c0_i32_0 = arith.constant 0 : i32
    %c0_i32_1 = arith.constant 0 : i32
    return %c0_i32, %arg0, %c0_i32_0 : i32, i32, i32
  }
  func.func @transform_3(%arg0: i32) -> (i32, i32) {
    %c0_i32 = arith.constant 0 : i32
    %c0_i32_0 = arith.constant 0 : i32
    return %arg0, %c0_i32 : i32, i32
  }
  func.func @transform_4(%arg0: i32) -> (i32, i32) {
    %c0_i32 = arith.constant 0 : i32
    %c0_i32_0 = arith.constant 0 : i32
    %c0_i32_1 = arith.constant 0 : i32
    return %c0_i32, %c0_i32_0 : i32, i32
  }
  func.func @transform_5(%arg0: i32) -> (i32, i32) {
    %c0_i32 = arith.constant 0 : i32
    %c0_i32_0 = arith.constant 0 : i32
    %c0_i32_1 = arith.constant 0 : i32
    return %c0_i32, %c0_i32_0 : i32, i32
  }
  func.func @transform_6(%arg0: i32) -> (i32, i32) {
    %c0_i32 = arith.constant 0 : i32
    %c0_i32_0 = arith.constant 0 : i32
    return %arg0, %c0_i32 : i32, i32
  }
}

module attributes {stable_mosaic.version = 14 : i64} {
  func.func @_final_body(%arg0: i32, %arg1: memref<1x1000x32xf32, #tpu.memory_space<vmem>>, %arg2: memref<1x1000x32xf32, #tpu.memory_space<vmem>>, %arg3: memref<1000x32xf32, #tpu.memory_space<vmem>>, %arg4: memref<1000x8xf32, #tpu.memory_space<vmem>>, %arg5: memref<1x32xf32, #tpu.memory_space<vmem>>, %arg6: memref<1000x32xf32, #tpu.memory_space<vmem>>) attributes {dimension_semantics = [#tpu.dimension_semantics<arbitrary>], iteration_bounds = array<i64: 10>, scalar_prefetch = 0 : i64, scratch_operands = 0 : i64, tpu.core_type = #tpu.core_type<tc>, window_params = [{transform_indices = @transform_0, window_bounds = array<i64: 1, 1000, 32>}, {transform_indices = @transform_1, window_bounds = array<i64: 1, 1000, 32>}, {transform_indices = @transform_2, window_bounds = array<i64: 1000, 32>}, {transform_indices = @transform_3, window_bounds = array<i64: 1000, 8>}, {pipeline_mode = #tpu.pipeline_mode<synchronous>, transform_indices = @transform_4, window_bounds = array<i64: 1, 32>}, {transform_indices = @transform_5, window_bounds = array<i64: 1000, 32>}]} {
    %get3A = arith.constant 0 : index
    %get3A_0 = arith.constant 0 : index
    %get3A_1 = vector.load %arg4[%get3A, %get3A_0] : memref<1000x8xf32, #tpu.memory_space<vmem>>, vector<1000x1xf32>
    %get3A_2 = arith.constant 0 : index
    %get3A_3 = arith.constant 0 : index
    %get3A_4 = arith.constant 0 : index
    %get3A_5 = vector.load %arg1[%get3A_2, %get3A_3, %get3A_4] : memref<1x1000x32xf32, #tpu.memory_space<vmem>>, vector<1x1000x32xf32>
    %get3A_6 = vector.shape_cast %get3A_5 : vector<1x1000x32xf32> to vector<1000x32xf32>
    %get3A_7 = arith.constant 0 : index
    %get3A_8 = arith.constant 0 : index
    %get3A_9 = arith.constant 0 : index
    %get3A_10 = vector.load %arg2[%get3A_7, %get3A_8, %get3A_9] : memref<1x1000x32xf32, #tpu.memory_space<vmem>>, vector<1x1000x32xf32>
    %get3A_11 = vector.shape_cast %get3A_10 : vector<1x1000x32xf32> to vector<1000x32xf32>
    %add3A = arith.addf %get3A_6, %get3A_11 : vector<1000x32xf32>
    %get3A_12 = arith.constant 0 : index
    %get3A_13 = arith.constant 0 : index
    %get3A_14 = vector.load %arg3[%get3A_12, %get3A_13] : memref<1000x32xf32, #tpu.memory_space<vmem>>, vector<1000x32xf32>
    %add3A_15 = arith.addf %add3A, %get3A_14 : vector<1000x32xf32>
    %mul3A = vector.broadcast %get3A_1 : vector<1000x1xf32> to vector<1000x32xf32>
    %mul3A_16 = arith.mulf %mul3A, %add3A_15 : vector<1000x32xf32>
    %get3A_17 = arith.constant 0 : index
    %get3A_18 = arith.constant 0 : index
    %get3A_19 = vector.load %arg5[%get3A_17, %get3A_18] : memref<1x32xf32, #tpu.memory_space<vmem>>, vector<1x32xf32>
    %add3A_20 = vector.broadcast %get3A_19 : vector<1x32xf32> to vector<1000x32xf32>
    %add3A_21 = arith.addf %mul3A_16, %add3A_20 : vector<1000x32xf32>
    %reduce_max3A = arith.constant dense<0xFF800000> : vector<1000xf32>
    %reduce_max3A_22 = vector.multi_reduction <maximumf>, %add3A_21, %reduce_max3A [1] : vector<1000x32xf32> to vector<1000xf32>
    %broadcast_in_dim3A = vector.shape_cast %reduce_max3A_22 : vector<1000xf32> to vector<1000x1xf32>
    %sub3A = vector.broadcast %broadcast_in_dim3A : vector<1000x1xf32> to vector<1000x32xf32>
    %sub3A_23 = arith.subf %add3A_21, %sub3A : vector<1000x32xf32>
    %exp3A = math.exp %sub3A_23 : vector<1000x32xf32>
    %reduce_sum3A = arith.constant dense<0.000000e+00> : vector<1000xf32>
    %reduce_sum3A_24 = vector.multi_reduction <add>, %exp3A, %reduce_sum3A [1] : vector<1000x32xf32> to vector<1000xf32>
    %broadcast_in_dim3A_25 = vector.shape_cast %reduce_sum3A_24 : vector<1000xf32> to vector<1000x1xf32>
    %sub3A_26 = vector.broadcast %broadcast_in_dim3A : vector<1000x1xf32> to vector<1000x32xf32>
    %sub3A_27 = arith.subf %add3A_21, %sub3A_26 : vector<1000x32xf32>
    %log3A = math.log %broadcast_in_dim3A_25 : vector<1000x1xf32>
    %sub3A_28 = vector.broadcast %log3A : vector<1000x1xf32> to vector<1000x32xf32>
    %sub3A_29 = arith.subf %sub3A_27, %sub3A_28 : vector<1000x32xf32>
    %swap3A = arith.constant 0 : index
    %swap3A_30 = arith.constant 0 : index
    %swap3A_31 = vector.load %arg6[%swap3A, %swap3A_30] : memref<1000x32xf32, #tpu.memory_space<vmem>>, vector<1000x32xf32>
    tpu.vector_store %arg6[%swap3A, %swap3A_30], %sub3A_29 {strides = array<i32>} : memref<1000x32xf32, #tpu.memory_space<vmem>>, vector<1000x32xf32>,
    return
  }
  func.func @transform_0(%arg0: i32) -> (i32, i32, i32) {
    %c0_i32 = arith.constant 0 : i32
    %c0_i32_0 = arith.constant 0 : i32
    %c0_i32_1 = arith.constant 0 : i32
    return %c0_i32, %arg0, %c0_i32_0 : i32, i32, i32
  }
  func.func @transform_1(%arg0: i32) -> (i32, i32, i32) {
    %c1_i32 = arith.constant 1 : i32
    %c0_i32 = arith.constant 0 : i32
    %c0_i32_0 = arith.constant 0 : i32
    return %c1_i32, %arg0, %c0_i32 : i32, i32, i32
  }
  func.func @transform_2(%arg0: i32) -> (i32, i32) {
    %c0_i32 = arith.constant 0 : i32
    %c0_i32_0 = arith.constant 0 : i32
    return %arg0, %c0_i32 : i32, i32
  }
  func.func @transform_3(%arg0: i32) -> (i32, i32) {
    %c0_i32 = arith.constant 0 : i32
    %c0_i32_0 = arith.constant 0 : i32
    return %arg0, %c0_i32 : i32, i32
  }
  func.func @transform_4(%arg0: i32) -> (i32, i32) {
    %c0_i32 = arith.constant 0 : i32
    %c0_i32_0 = arith.constant 0 : i32
    %c0_i32_1 = arith.constant 0 : i32
    return %c0_i32, %c0_i32_0 : i32, i32
  }
  func.func @transform_5(%arg0: i32) -> (i32, i32) {
    %c0_i32 = arith.constant 0 : i32
    %c0_i32_0 = arith.constant 0 : i32
    return %arg0, %c0_i32 : i32, i32
  }
}

</mosaic_0001>

<sc_bundles>
// kernel: kernel.11.cloned.1.call-start
scs
__scs_entry_jumppad:
0x0: {  	(pc) =	sbr.rel $0x88, $3  }
0x1: {  	(tag) =	ssettag $0x0;
	lr =	simm.s32 $0x1  }
0x2: {  	[smem:$0x3F9B] =	sst lr;
	_ =	strace $0xD0000000  }
0x3: {  	_ = 	snop  }
0x4: {  	_ = 	snop  }
0x5: {  	_ = 	snop  }
0x6: {  	_ = 	snop  }
0x7: {  	_ = 	snop  }
__scs_overlays_trampoline_lowered:
0x8: {  	[smem:$0x3FAA] =	sst s0  }
0x9: {  	[smem:$0x3FAB] =	sst s1  }
0xa: {  	[smem:$0x3FAC] =	sst s2  }
0xb: {  	[smem:$0x3FAD] =	sst s3  }
0xc: {  	[smem:$0x3FAE] =	sst s4  }
0xd: {  	[smem:$0x3FAF] =	sst s5  }
0xe: {  	[smem:$0x3FB0] =	sst s6  }
0xf: {  	[smem:$0x3FB1] =	sst s7  }
0x10: {  	[smem:$0x3FB2] =	sst s8  }
0x11: {  	[smem:$0x3FB3] =	sst s9;
	s0 =	simm.s32 @!p0 $0x0  }
0x12: {  	s1 =	sld [smem:$0x3F99];
	s0 =	simm.s32 @p0 $0x1  }
0x13: {  	[smem:$0x3FB4] =	sst s0;
	s0 =	simm.s32 @!p1 $0x0  }
0x14: {  	s2 =	sld [smem:$0x3F98];
	s0 =	simm.s32 @p1 $0x1  }
0x15: {  	[smem:$0x3FB5] =	sst s0;
	s0 =	simm.s32 @!p2 $0x0  }
0x16: {  	s3 =	sld [smem:$0x3FDB];
	s0 =	simm.s32 @p2 $0x1  }
0x17: {  	s4 =	simm.s32 $0x1BF5;
	[smem:$0x3FB7] =	sst s0  }
0x18: {  	s0 =	sld [smem:$0x3F9A];
	_ =	swait.ge [sflag:s4], $0x0  }
0x19: {  	s7 =	sld [smem:$0x3F9B]  }
0x1a: {  	s8 =	sadd.s32 $0xFFFFE003, lr  }
0x1b: {  	s9 =	sadd.s32 $0xFFFFFEF7, lr;
	s5 =	simm.s32 $0xFFFFFFFF;
	p2 =	slt.u32 s8, $0xFFFFF086  }
0x1c: {  	p1 =	slt.u32 s9, $0xF7A;
	s5 =	simm.s32 @!p2 $0x0  }
0x1d: {  	s5 =	simm.s32 @p1 $0x1;
	p0 =	seq.s32 s7, s2  }
0x1e: {  	s7 =	smul.u32 @!p0 $0xF7A, s2;
	p2 =	seq.s32 @!p0 s5, $0x0  }
0x1f: {  	s9 =	smul.u32 $0xF7A, s1;
	s8 =	simm.s32 @!p0 $0x1BF5;
	p2 =	por !p2, p0  }
0x20: {  	[sflag:s8] =	ssyncset.s32 @!p0 $0xFFFFF086;
	s6 =	sadd.s32 @!p0 s3, s7;
	s7 =	simm.s32 @!p0 $0x108  }
0x21: {  	s3 =	sadd.s32 s3, s9;
	s6 =	sadd.s32 @!p0 $0x88, s6;
	s7 =	simm.s32 @p2 $0x1082  }
0x22: {  	[simem:s7], [sflag:s8] =	dma.local @!p0 [hbm:s6], $0xF7A  }
0x23: {  	s9 =	sor.u32 $0xD0000000, s2;
	s6 =	simm.s32 $0x108;
	_ =	swait.ge @!p0 [sflag:s8], $0x0  }
0x24: {  	s3 =	sadd.s32 $0x88, s3;
	s6 =	simm.s32 @!p1 $0x1082;
	[sflag:s4] =	ssyncset.s32 $0xFFFFF086  }
0x25: {  	[simem:s6], [sflag:s4] =	dma.local [hbm:s3], $0xF7A  }
0x26: {  	[smem:$0x3F9B] =	sst s1;
	(tag) =	ssettag s2;
	_ =	strace s9  }
0x27: {  	s1 =	sld [smem:$0x3FAB]  }
0x28: {  	s2 =	sld [smem:$0x3FAC]  }
0x29: {  	s4 =	sld [smem:$0x3FAE]  }
0x2a: {  	p0 =	seq.s32 s5, $0x0;
	s5 =	sld [smem:$0x3FAF]  }
0x2b: {  	s6 =	sld [smem:$0x3FB0]  }
0x2c: {  	s7 =	sld [smem:$0x3FB1]  }
0x2d: {  	s3 =	simm.s32 $0x108;
	s8 =	sld [smem:$0x3FB2]  }
0x2e: {  	s3 =	simm.s32 @!p0 $0x1082;
	s9 =	sld [smem:$0x3FB3]  }
0x2f: {  	lr =	sadd.s32 s0, s3;
	s0 =	sld [smem:$0x3FAA]  }
0x30: {  	s3 =	sld [smem:$0x3FAD]  }
0x31: {  	[smem:$0x3FB6] =	sst s10  }
0x32: {  	s10 =	sld [smem:$0x3FB4];
	_ =	sdelay $0x3  }
0x33: {  	p0 =	seq.s32 s10, $0x1;
	s10 =	sld [smem:$0x3FB6];
	_ =	sdelay $0x3  }
0x34: {  	[smem:$0x3FB6] =	sst s10  }
0x35: {  	s10 =	sld [smem:$0x3FB5];
	_ =	sdelay $0x3  }
0x36: {  	p1 =	seq.s32 s10, $0x1;
	s10 =	sld [smem:$0x3FB6];
	_ =	sdelay $0x3  }
0x37: {  	[smem:$0x3FB6] =	sst s10  }
0x38: {  	s10 =	sld [smem:$0x3FB7]  }
0x39: {  	_ = 	snop;
	(pc) =	sbr.ind lr, $3  }
0x3a: {  	_ = 	snop  }
0x3b: {  	_ = 	snop  }
0x3c: {  	p2 =	seq.s32 s10, $0x1;
	s10 =	sld [smem:$0x3FB6]  }
0x3d: {  	_ =	shalt  }
0x3e: {  	_ =	shalt  }
0x3f: {  	_ =	shalt  }
0x40: {  	_ =	shalt  }
0x41: {  	_ =	shalt  }
0x42: {  	_ =	shalt  }
0x43: {  	_ =	shalt  }
0x44: {  	_ =	shalt  }
0x45: {  	_ =	shalt  }
0x46: {  	_ =	shalt  }
0x47: {  	_ =	shalt  }
0x48: {  	_ =	shalt  }
0x49: {  	_ =	shalt  }
0x4a: {  	_ =	shalt  }
0x4b: {  	_ =	shalt  }
0x4c: {  	_ =	shalt  }
0x4d: {  	_ =	shalt  }
0x4e: {  	_ =	shalt  }
0x4f: {  	_ =	shalt  }
0x50: {  	_ =	shalt  }
0x51: {  	_ =	shalt  }
0x52: {  	_ =	shalt  }
0x53: {  	_ =	shalt  }
0x54: {  	_ =	shalt  }
0x55: {  	_ =	shalt  }
0x56: {  	_ =	shalt  }
0x57: {  	_ =	shalt  }
0x58: {  	_ =	shalt  }
0x59: {  	_ =	shalt  }
0x5a: {  	_ =	shalt  }
0x5b: {  	_ =	shalt  }
0x5c: {  	_ =	shalt  }
0x5d: {  	_ =	shalt  }
0x5e: {  	_ =	shalt  }
0x5f: {  	_ =	shalt  }
0x60: {  	_ =	shalt  }
0x61: {  	_ =	shalt  }
0x62: {  	_ =	shalt  }
0x63: {  	_ =	shalt  }
0x64: {  	_ =	shalt  }
0x65: {  	_ =	shalt  }
0x66: {  	_ =	shalt  }
0x67: {  	_ =	shalt  }
0x68: {  	_ =	shalt  }
0x69: {  	_ =	shalt  }
0x6a: {  	_ =	shalt  }
0x6b: {  	_ =	shalt  }
0x6c: {  	_ =	shalt  }
0x6d: {  	_ =	shalt  }
0x6e: {  	_ =	shalt  }
0x6f: {  	_ =	shalt  }
0x70: {  	_ =	shalt  }
0x71: {  	_ =	shalt  }
0x72: {  	_ =	shalt  }
0x73: {  	_ =	shalt  }
0x74: {  	_ =	shalt  }
0x75: {  	_ =	shalt  }
0x76: {  	_ =	shalt  }
0x77: {  	_ =	shalt  }
0x78: {  	_ =	shalt  }
0x79: {  	_ =	shalt  }
0x7a: {  	_ =	shalt  }
0x7b: {  	_ =	shalt  }
0x7c: {  	_ =	shalt  }
0x7d: {  	_ =	shalt  }
0x7e: {  	_ =	shalt  }
0x7f: {  	_ =	shalt  }
0x80: {  	_ =	shalt  }
0x81: {  	_ =	shalt  }
0x82: {  	_ =	shalt  }
0x83: {  	_ =	shalt  }
0x84: {  	_ =	shalt  }
0x85: {  	_ =	shalt  }
0x86: {  	_ =	shalt  }
0x87: {  	_ =	shalt  }
.Lfunc_end0:
.L_simem_size_0:
called_computation.1_lowered:
.L_overlay_start_0:
0x88: {  	s2 =	sld [smem:$0x3FD9]  }
0x89: {  	s3 =	sld [smem:$0x3FFE];
	_ =	sdelay $0x1  }
0x8a: {  	s1 =	srdreg.scid  }
0x8b: {  	s0 =	sand.u32 $0x1, s1  }
0x8c: {  	s17 =	sshll.u32 s0, $0xA;
	s2 =	sadd.s32 s3, s2  }
0x8d: {  	s2 =	sadd.s32 s2, s17  }
0x8e: {  	[smem:$0x3FC2] =	sst s2  }
0x8f: {  	_ = 	snop  }
0x90: {  	s2 =	sld [smem:$0x3FD0];
	(tm) =	ssettm $0x1  }
0x91: {  	s18 =	sld [smem:$0x3FFB];
	_ =	sdelay $0x3  }
0x92: {  	_ =	strace s18  }
0x93: {  	s3 =	sld [smem:$0x3FFC];
	_ =	sdelay $0x3  }
0x94: {  	_ =	strace s3  }
0x95: {  	s3 =	sld [smem:$0x3FFD];
	_ =	sdelay $0x3  }
0x96: {  	_ =	strace s3  }
0x97: {  	_ =	strace $0x8FFFFFFF  }
0x98: {  	s19 =	sld [smem:$0x3FDB];
	_ =	sdelay $0x1  }
0x99: {  	s4 =	simm.s32 $_scs_section_size  }
0x9a: {  	s5 =	simm.s32 $_size__tile_overlayer_lowered;
	s6 =	simm.s32 $_tile_overlayer_lowered  }
0x9b: {  	s22 =	simm.s32 $0x1BFF;
	s21 =	sshll.u32 s6, $0x1;
	s3 =	sadd.s32 s4, s19  }
0x9c: {  	s7 =	simm.s32 $0x0;
	s20 =	sshll.u32 s5, $0x1;
	s5 =	sadd.s32 s21, s3  }
0x9d: {  	[timem:s7], [sflag:s22] =	dma.local [hbm:s5], s20  }
0x9e: {  	_ =	swait.ge [sflag:s22], s20  }
0x9f: {  	s4 =	ssub.s32 $0x0, s20;
	[sflag:s22] =	ssyncset.done $0x0  }
0xa0: {  	[sflag:s22] =	ssyncadd.s32 s4;
	_ =	sdelay $0x1  }
0xa1: {  	s23 =	simm.s32 $0x1B8B  }
0xa2: {  	_ =	swait.ge [sflag:s23], $0x1  }
0xa3: {  	[sflag:s23] =	ssyncset.done $0x0  }
0xa4: {  	s25 =	simm.s32 $0x1B8E;
	s24 =	sld [smem:$0x3FFE];
	[sflag:s23] =	ssyncadd.s32 $0xFFFFFFFF  }
0xa5: {  	s26 =	simm.s32 $execute0_lowered;
	[smem:$0x3FD2] =	sst s25  }
0xa6: {  	s5 =	sshll.u32 s26, $0x1;
	_ =	strace $0x80000049;
	[dreg:$0x1] =	wrdreg $0xFFFFFFFF  }
0xa7: {  	s28 =	simm.s32 $_size_execute0_lowered;
	s3 =	sadd.s32 s3, s5;
	[dreg:$0x0] =	wrdreg $0x0  }
0xa8: {  	s5 =	sshll.u32 s28, $0x1;
	[dreg:$0x2] =	wrdreg s3  }
0xa9: {  	[dreg:$0x3] =	wrdreg s5  }
0xaa: {  	[dreg:$0x4] =	wrdreg $0xC0  }
0xab: {  	_ =	task [dreg:s7], $0x5FFFF  }
0xac: {  	[dreg:$0x1] =	wrdreg $0xFFFFFFFF  }
0xad: {  	[dreg:$0x0] =	wrdreg $0x60  }
0xae: {  	[dreg:$0x2] =	wrdreg s24  }
0xaf: {  	[dreg:$0x3] =	wrdreg s2  }
0xb0: {  	[dreg:$0x4] =	wrdreg $0x120000  }
0xb1: {  	[dreg:$0x5] =	wrdreg $0x9  }
0xb2: {  	_ =	task.clear_ibuf [dreg:s7], $0x6FFFF;
	_ =	strace $0x90000049  }
0xb3: {  	s29 =	simm.s32 $0x9;
	_ =	strace $0x8000004B  }
0xb4: {  	_ =	swait.ge [sflag:s29], $0x1  }
0xb5: {  	[sflag:s29] =	ssyncadd.s32 $0xFFFFFFFF  }
0xb6: {  	_ =	strace $0x9000004B  }
0xb7: {  	_ =	sfence  }
0xb8: {  	s30 =	sld [smem:$0x0];
	_ =	sdelay $0x2  }
0xb9: {  	s31 =	sshll.u32 s1, $0xD;
	s1 =	sshrl.u32 s1, $0x2  }
0xba: {  	s3 =	sand.u32 $0x4000, s31;
	s1 =	sadd.s32 s1, s30  }
0xbb: {  	s0 =	sor.u32 s3, s0;
	s1 =	sshll.u32 s1, $0x11  }
0xbc: {  	s0 =	sor.u32 s1, s0  }
0xbd: {  	s0 =	sadd.s32 $0x8F2B, s0  }
0xbe: {  	[sflag:s0] =	ssyncadd.remote.s32 $0x1  }
0xbf: {  	_ =	sfence.sel $0xFFFF  }
0xc0: {  	[dreg:$0x0] =	wrdreg $0xFFFFFFFF;
	(pc) =	sbr.abs _section_cstart, $3  }
0xc1: {  	[dreg:$0x1] =	wrdreg $0xFFFFFFFF  }
0xc2: {  	_ =	task.clear_ibuf [dreg:s7], $0x2FFFF;
	_ =	strace $0x9FFFFFFF  }
0xc3: {  	(tm) =	ssettm $0x7FFFFFFF  }
tec
execute0_lowered:
.L_overlay_start_1:
0x0: {  	(tag) =	ssettag $0x1  }
0x1: {  	s0 =	rddreg [dreg:$0x0]  }
0x2: {  	s2 =	rddreg [dreg:$0x2]  }
0x3: {  	s3 =	srdreg.scid;
	s4 =	simm.s32 $0x0;
	s1 =	stileid.u32  }
0x4: {  	s12 =	simm.s32 $0x3;
	s13 =	simm.s32 $0x5000;
	s14 =	simm.s32 $0x80  }
0x5: {  	s15 =	simm.s32 $0xA000;
	s16 =	simm.s32 $0xC000;
	s18 =	simm.s32 $0xE000  }
0x6: {  	s20 =	simm.s32 $0x10000;
	s21 =	simm.s32 $0x1;
	s23 =	simm.s32 $0x2  }
0x7: {  	s24 =	simm.s32 $0x200;
	s28 =	simm.s32 $0x280;
	s29 =	simm.s32 $0x5180  }
0x8: {  	s30 =	simm.s32 $0x300;
	s31 =	simm.s32 $0x0;
	s9 =	smul.u32 $0xFA00, s1  }
0x9: {  	s3 =	sand.u32 $0x1, s3;
	[smem:$0x7FF] =	sst s4;
	s8 =	smul.u32 $0x3E800, s1  }
0xa: {  	p0 =	sgt.u32 s1, $0x9;
	s5 =	sshll.u32 s3, $0x4;
	s6 =	smul.u32 $0x9C400, s3  }
0xb: {  	_ =	strace $0x8000004A;
	s3 =	ssub.s32 $0x2, s3;
	s5 =	sor.u32 s1, s5  }
0xc: {  	s26 =	sshrl.u32 s3, $0x1;
	s8 =	sshrl.u32 s8, $0x2;
	s7 =	smul.u32 $0xA00, s5  }
0xd: {  	s5 =	sadd.s32 $0xB3C00, s0;
	s6 =	sadd.s32 s9, s6;
	s3 =	ssub.s32 s3, s26  }
.Ltmp0:
0xe: {  	s11 =	sadd.s32 s8, s2;
	s6 =	sshrl.u32 s6, $0x3;
	(pc) =	sbr.rel .LBB2_1-.Ltmp0, $4  }
0xf: {  	s26 =	simm.s32 $0x5100;
	s7 =	sadd.s32 s7, s0;
	s0 =	sadd.s32 s6, s0  }
0x10: {  	s11 =	sshrl.u32 @!p0 s11, $0x3;
	s6 =	sadd.s32 $0x16800, s7;
	s8 =	sadd.s32 $0xDAE00, s0  }
0x11: {  	s0 =	sadd.s32 s9, s2;
	s9 =	smax.u32 s3, $0x1;
	s3 =	sshll.u32 @!p0 s1, $0x6  }
0x12: {  	s7 =	sadd.s32 $0x2A800, s7;
	s10 =	sor.u32 @!p0 $0x1C03, s3;
	s25 =	sshrl.u32 @!p0 s0, $0x3  }
.LBB2_4:
0x13: {  	_ =	swait.ge [sflag:s23], $0x2000  }
0x14: {  	s31 =	sadd.s32 $0x1, s31;
	[sflag:s23] =	ssyncset.done $0x0  }
0x15: {  	p1 =	sne.s32 s31, s9;
	[sflag:s23] =	ssyncadd.s32 $0xFFFFE000  }
.Ltmp1:
0x16: {  	s0 =	simm.s32 @!p0 $0x3;
	[bflag:$0x0] =	sbarrier.arrive $0xFFFF;
	(pc) =	sbr.rel @!p1 .LBB2_5-.Ltmp1, $4  }
0x17: {  	[hbm:s8], [sflag:s10] =	dma.local @!p0 [spmem:s25], $0x1F40  }
0x18: {  	_ =	swait.ge @!p0 [sflag:s0], $0x1F40  }
0x19: {  	[sflag:s0] =	ssyncset.done @!p0 $0x0  }
0x1a: {  	[sflag:s0] =	ssyncadd.s32 @!p0 $0xFFFFE0C0  }
.LBB2_1:
0x1b: {  	s0 =	rddreg [dreg:$0x1]  }
0x1c: {  	[spmem:s11], [sflag:s10] =	dma.local @!p0 [hbm:s0], $0x1F40  }
0x1d: {  	s0 =	simm.s32 @!p0 $0x3  }
0x1e: {  	_ =	swait.ge @!p0 [sflag:s0], $0x1F40  }
0x1f: {  	[sflag:s0] =	ssyncset.done @!p0 $0x0  }
0x20: {  	[sflag:s0] =	ssyncadd.s32 @!p0 $0xFFFFE0C0  }
0x21: {  	[tilespmem:s4], [sflag:$0x3] =	stream.linear.gather [hbm4b:s6+s4], $0x5000, $0x38;
	[tilespmem:$0x1BC60] =	vst v63  }
0x22: {  	_ =	swait.ge [sflag:s12], $0x5000  }
0x23: {  	[sflag:s12] =	ssyncset.done $0x0  }
0x24: {  	[sflag:s12] =	ssyncadd.s32 $0xFFFFB000  }
0x25: {  	[tilespmem:s13], [sflag:$0x3] =	stream.linear.gather [hbm4b:s7+s4], $0x5000, $0x38;
	[tilespmem:$0x1BC60] =	vst v63  }
0x26: {  	_ =	swait.ge [sflag:s12], $0x5000  }
0x27: {  	[sflag:s12] =	ssyncset.done $0x0  }
0x28: {  	[sflag:s12] =	ssyncadd.s32 $0xFFFFB000  }
0x29: {  	[bflag:$0x0] =	sbarrier.arrive $0xFFFF  }
0x2a: {  	[tilespmem:s15], [sflag:$0x1] =	stream.indirect.gather [hbm4b:s5+s14], $0x40, s4, s14, $0xb8;
	[tilespmem:$0x1BC60] =	vst v63  }
0x2b: {  	_ = 	snop  }
0x2c: {  	[tilespmem:s16], [sflag:$0x1] =	stream.indirect.gather [hbm4b:s5+s14], $0x40, s14, s14, $0xb8;
	[tilespmem:$0x1BC60] =	vst v63  }
0x2d: {  	s17 =	simm.s32 $0x100  }
0x2e: {  	[tilespmem:s18], [sflag:$0x1] =	stream.indirect.gather [hbm4b:s5+s14], $0x40, s17, s14, $0xb8;
	[tilespmem:$0x1BC60] =	vst v63  }
0x2f: {  	s19 =	simm.s32 $0x180  }
0x30: {  	[tilespmem:s20], [sflag:$0x1] =	stream.indirect.gather [hbm4b:s5+s14], $0x40, s19, s14, $0xb8;
	[tilespmem:$0x1BC60] =	vst v63  }
0x31: {  	_ =	swait.ge [sflag:s21], $0x2000  }
0x32: {  	[sflag:s21] =	ssyncset.done $0x0  }
0x33: {  	[sflag:s21] =	ssyncadd.s32 $0xFFFFE000  }
0x34: {  	[spmem:s2] =	stream.indirect.scatter.add.f32 [tilespmem:s15], [sflag:$0x2], $0x40, s13, s14, $0xb8;
	[tilespmem:$0x1BC60] =	vst v63  }
0x35: {  	_ =	swait.ge [sflag:s21], $0x2000  }
0x36: {  	[sflag:s21] =	ssyncset.done $0x0  }
0x37: {  	s22 =	simm.s32 $0x5080;
	[sflag:s21] =	ssyncadd.s32 $0xFFFFE000  }
0x38: {  	[spmem:s2] =	stream.indirect.scatter.add.f32 [tilespmem:s16], [sflag:$0x2], $0x40, s22, s14, $0xb8;
	[tilespmem:$0x1BC60] =	vst v63  }
0x39: {  	_ =	swait.ge [sflag:s23], $0x2000  }
0x3a: {  	[sflag:s23] =	ssyncset.done $0x0  }
0x3b: {  	[sflag:s23] =	ssyncadd.s32 $0xFFFFE000  }
0x3c: {  	[tilespmem:s15], [sflag:$0x1] =	stream.indirect.gather [hbm4b:s5+s14], $0x40, s24, s14, $0xb8;
	[tilespmem:$0x1BC60] =	vst v63  }
0x3d: {  	_ =	swait.ge [sflag:s21], $0x2000  }
0x3e: {  	[sflag:s21] =	ssyncset.done $0x0  }
0x3f: {  	[sflag:s21] =	ssyncadd.s32 $0xFFFFE000  }
0x40: {  	[spmem:s2] =	stream.indirect.scatter.add.f32 [tilespmem:s18], [sflag:$0x2], $0x40, s26, s14, $0xb8;
	[tilespmem:$0x1BC60] =	vst v63  }
0x41: {  	_ =	swait.ge [sflag:s23], $0x2000  }
0x42: {  	[sflag:s23] =	ssyncset.done $0x0  }
0x43: {  	[sflag:s23] =	ssyncadd.s32 $0xFFFFE000  }
0x44: {  	[tilespmem:s16], [sflag:$0x1] =	stream.indirect.gather [hbm4b:s5+s14], $0x40, s28, s14, $0xb8;
	[tilespmem:$0x1BC60] =	vst v63  }
0x45: {  	_ =	swait.ge [sflag:s21], $0x2000  }
0x46: {  	[sflag:s21] =	ssyncset.done $0x0  }
0x47: {  	[sflag:s21] =	ssyncadd.s32 $0xFFFFE000  }
0x48: {  	[spmem:s2] =	stream.indirect.scatter.add.f32 [tilespmem:s20], [sflag:$0x2], $0x40, s29, s14, $0xb8;
	[tilespmem:$0x1BC60] =	vst v63  }
0x49: {  	_ =	swait.ge [sflag:s23], $0x2000  }
0x4a: {  	[sflag:s23] =	ssyncset.done $0x0  }
0x4b: {  	s0 =	simm.s32 $0x0;
	[sflag:s23] =	ssyncadd.s32 $0xFFFFE000  }
0x4c: {  	[tilespmem:s18], [sflag:$0x1] =	stream.indirect.gather [hbm4b:s5+s14], $0x40, s30, s14, $0xb8;
	[tilespmem:$0x1BC60] =	vst v63  }
.LBB2_2:
0x4d: {  	_ =	swait.ge [sflag:s21], $0x2000  }
0x4e: {  	s3 =	sshra.s32 s0, $0x2;
	[sflag:s21] =	ssyncset.done $0x0  }
0x4f: {  	s1 =	sadd.s32 $0x5200, s3;
	[sflag:s21] =	ssyncadd.s32 $0xFFFFE000  }
0x50: {  	[spmem:s2] =	stream.indirect.scatter.add.f32 [tilespmem:s15], [sflag:$0x2], $0x40, s1, s14, $0xb8;
	[tilespmem:$0x1BC60] =	vst v63  }
0x51: {  	_ =	swait.ge [sflag:s23], $0x2000  }
0x52: {  	[sflag:s23] =	ssyncset.done $0x0  }
0x53: {  	s17 =	sadd.s32 $0x380, s3;
	[sflag:s23] =	ssyncadd.s32 $0xFFFFE000  }
0x54: {  	[tilespmem:s20], [sflag:$0x1] =	stream.indirect.gather [hbm4b:s5+s14], $0x40, s17, s14, $0xb8;
	[tilespmem:$0x1BC60] =	vst v63  }
0x55: {  	_ =	swait.ge [sflag:s21], $0x2000  }
0x56: {  	[sflag:s21] =	ssyncset.done $0x0  }
0x57: {  	s19 =	sadd.s32 $0x5280, s3;
	[sflag:s21] =	ssyncadd.s32 $0xFFFFE000  }
0x58: {  	[spmem:s2] =	stream.indirect.scatter.add.f32 [tilespmem:s16], [sflag:$0x2], $0x40, s19, s14, $0xb8;
	[tilespmem:$0x1BC60] =	vst v63  }
0x59: {  	_ =	swait.ge [sflag:s23], $0x2000  }
0x5a: {  	p1 =	seq.s32 s0, $0x13000;
	[sflag:s23] =	ssyncset.done $0x0  }
0x5b: {  	s1 =	simm.s32 @p1 $0x1;
	[sflag:s23] =	ssyncadd.s32 $0xFFFFE000  }
0x5c: {  	_ =	swait.ge @p1 [sflag:s1], $0x2000  }
0x5d: {  	[sflag:s1] =	ssyncset.done @p1 $0x0  }
0x5e: {  	[sflag:s1] =	ssyncadd.s32 @p1 $0xFFFFE000;
	s1 =	sshra.s32 @p1 s0, $0x2  }
0x5f: {  	s17 =	simm.s32 @p1 $0x80;
	s19 =	simm.s32 @p1 $0xE000;
	s1 =	sadd.s32 @p1 $0x5300, s1  }
0x60: {  	[spmem:s2] =	stream.indirect.scatter.add.f32 @p1 [tilespmem:s19], [sflag:$0x2], $0x40, s1, s17, $0xb8;
	[tilespmem:$0x1BC60] =	vst v63  }
0x61: {  	s1 =	simm.s32 @p1 $0x2  }
0x62: {  	_ =	swait.ge @p1 [sflag:s1], $0x2000  }
0x63: {  	[sflag:s1] =	ssyncset.done @p1 $0x0  }
0x64: {  	[sflag:s1] =	ssyncadd.s32 @p1 $0xFFFFE000;
	s1 =	sshra.s32 @!p1 s0, $0x2  }
0x65: {  	s22 =	simm.s32 @!p1 $0xA000;
	s19 =	simm.s32 @!p1 $0x80;
	s17 =	sadd.s32 @!p1 $0x400, s1  }
0x66: {  	[tilespmem:s22], [sflag:$0x1] =	stream.indirect.gather @!p1 [hbm4b:s5+s19], $0x40, s17, s19, $0xb8;
	[tilespmem:$0x1BC60] =	vst v63  }
0x67: {  	s17 =	simm.s32 @!p1 $0x1  }
0x68: {  	_ =	swait.ge @!p1 [sflag:s17], $0x2000  }
0x69: {  	[sflag:s17] =	ssyncset.done @!p1 $0x0  }
0x6a: {  	s22 =	simm.s32 @!p1 $0xE000;
	[sflag:s17] =	ssyncadd.s32 @!p1 $0xFFFFE000;
	s17 =	sadd.s32 @!p1 $0x5300, s1  }
0x6b: {  	[spmem:s2] =	stream.indirect.scatter.add.f32 @!p1 [tilespmem:s22], [sflag:$0x2], $0x40, s17, s19, $0xb8;
	[tilespmem:$0x1BC60] =	vst v63  }
0x6c: {  	s17 =	simm.s32 @!p1 $0x2  }
0x6d: {  	_ =	swait.ge @!p1 [sflag:s17], $0x2000  }
0x6e: {  	[sflag:s17] =	ssyncset.done @!p1 $0x0  }
0x6f: {  	s1 =	sadd.s32 @!p1 $0x480, s1;
	[sflag:s17] =	ssyncadd.s32 @!p1 $0xFFFFE000;
	s17 =	simm.s32 @!p1 $0xC000  }
0x70: {  	[tilespmem:s17], [sflag:$0x1] =	stream.indirect.gather @!p1 [hbm4b:s5+s19], $0x40, s1, s19, $0xb8;
	[tilespmem:$0x1BC60] =	vst v63  }
0x71: {  	_ =	swait.ge [sflag:s21], $0x2000  }
0x72: {  	[sflag:s21] =	ssyncset.done $0x0  }
.Ltmp2:
0x73: {  	s22 =	sadd.s32 $0x5380, s3;
	[sflag:s21] =	ssyncadd.s32 $0xFFFFE000;
	(pc) =	sbr.rel @p1 .LBB2_4-.Ltmp2, $4  }
0x74: {  	[spmem:s2] =	stream.indirect.scatter.add.f32 [tilespmem:s20], [sflag:$0x2], $0x40, s22, s14, $0xb8;
	[tilespmem:$0x1BC60] =	vst v63  }
0x75: {  	_ =	swait.ge [sflag:s23], $0x2000  }
0x76: {  	[sflag:s23] =	ssyncset.done $0x0  }
0x77: {  	[sflag:s23] =	ssyncadd.s32 $0xFFFFE000  }
.Ltmp3:
0x78: {  	(pc) =	sbr.rel .LBB2_2-.Ltmp3, $3  }
0x79: {  	_ =	sdelay $0x1  }
0x7a: {  	s1 =	sadd.s32 $0x500, s3;
	s0 =	sadd.s32 $0x800, s0  }
0x7b: {  	[tilespmem:s18], [sflag:$0x1] =	stream.indirect.gather [hbm4b:s5+s14], $0x40, s1, s14, $0xb8;
	[tilespmem:$0x1BC60] =	vst v63  }
.LBB2_5:
0x7c: {  	_ =	sfence.sel $0x180000  }
0x7d: {  	[bflag:$0x0] =	sbarrier.arrive $0xFFFF  }
0x7e: {  	_ =	strace $0x9000004A  }
0x7f: {  	s0 =	stileid.u32;
	[bflag:$0x2] =	sbarrier.arrive $0xFFFF  }
0x80: {  	p0 =	sne.s32 s0, $0x0;
	s0 =	rddreg [dreg:$0x3]  }
0x81: {  	s0 =	sadd.s32 @!p0 $0x100000, s0  }
0x82: {  	[sflag:s0] =	ssyncadd.tile.s32 @!p0 $0x1;
	_ =	shalt  }
.Lfunc_end2:
_tile_overlayer_lowered:
.L_overlay_start_2:
0x83: {  	(tag) =	ssettag $0x2  }
0x84: {  	s0 =	rddreg [dreg:$0x0];
	s2 =	stileid.u32  }
0x85: {  	s1 =	rddreg [dreg:$0x1];
	p0 =	sne.s32 s2, $0x0  }
0x86: {  	s3 =	rddreg [dreg:$0x2];
	[bflag:$0x3] =	sbarrier.arrive $0xFFFF;
	s2 =	simm.s32 @!p0 $0x1C03  }
0x87: {  	[timem:s3], [sflag:s2] =	dma.local @!p0 [hbm:s0], s1  }
0x88: {  	s0 =	simm.s32 @!p0 $0x3  }
0x89: {  	_ =	swait.ge @!p0 [sflag:s0], s1  }
0x8a: {  	s1 =	ssub.s32 @!p0 $0x0, s1;
	[sflag:s0] =	ssyncset.done @!p0 $0x0  }
0x8b: {  	[sflag:s0] =	ssyncadd.s32 @!p0 s1  }
0x8c: {  	[bflag:$0x3] =	sbarrier.arrive $0xFFFF  }
0x8d: {  	_ =	shalt  }

// kernel: kernel.14.cloned.1.call-start
scs
__scs_entry_jumppad:
0x0: {  	(pc) =	sbr.rel $0x88, $3  }
0x1: {  	(tag) =	ssettag $0x0;
	lr =	simm.s32 $0x1  }
0x2: {  	[smem:$0x3F9B] =	sst lr;
	_ =	strace $0xD0000000  }
0x3: {  	_ = 	snop  }
0x4: {  	_ = 	snop  }
0x5: {  	_ = 	snop  }
0x6: {  	_ = 	snop  }
0x7: {  	_ = 	snop  }
__scs_overlays_trampoline_lowered:
0x8: {  	[smem:$0x3FAA] =	sst s0  }
0x9: {  	[smem:$0x3FAB] =	sst s1  }
0xa: {  	[smem:$0x3FAC] =	sst s2  }
0xb: {  	[smem:$0x3FAD] =	sst s3  }
0xc: {  	[smem:$0x3FAE] =	sst s4  }
0xd: {  	[smem:$0x3FAF] =	sst s5  }
0xe: {  	[smem:$0x3FB0] =	sst s6  }
0xf: {  	[smem:$0x3FB1] =	sst s7  }
0x10: {  	[smem:$0x3FB2] =	sst s8  }
0x11: {  	[smem:$0x3FB3] =	sst s9;
	s0 =	simm.s32 @!p0 $0x0  }
0x12: {  	s1 =	sld [smem:$0x3F99];
	s0 =	simm.s32 @p0 $0x1  }
0x13: {  	[smem:$0x3FB4] =	sst s0;
	s0 =	simm.s32 @!p1 $0x0  }
0x14: {  	s2 =	sld [smem:$0x3F98];
	s0 =	simm.s32 @p1 $0x1  }
0x15: {  	[smem:$0x3FB5] =	sst s0;
	s0 =	simm.s32 @!p2 $0x0  }
0x16: {  	s3 =	sld [smem:$0x3FDB];
	s0 =	simm.s32 @p2 $0x1  }
0x17: {  	s4 =	simm.s32 $0x1BF5;
	[smem:$0x3FB7] =	sst s0  }
0x18: {  	s0 =	sld [smem:$0x3F9A];
	_ =	swait.ge [sflag:s4], $0x0  }
0x19: {  	s7 =	sld [smem:$0x3F9B]  }
0x1a: {  	s8 =	sadd.s32 $0xFFFFE003, lr  }
0x1b: {  	s9 =	sadd.s32 $0xFFFFFEF7, lr;
	s5 =	simm.s32 $0xFFFFFFFF;
	p2 =	slt.u32 s8, $0xFFFFF086  }
0x1c: {  	p1 =	slt.u32 s9, $0xF7A;
	s5 =	simm.s32 @!p2 $0x0  }
0x1d: {  	s5 =	simm.s32 @p1 $0x1;
	p0 =	seq.s32 s7, s2  }
0x1e: {  	s7 =	smul.u32 @!p0 $0xF7A, s2;
	p2 =	seq.s32 @!p0 s5, $0x0  }
0x1f: {  	s9 =	smul.u32 $0xF7A, s1;
	s8 =	simm.s32 @!p0 $0x1BF5;
	p2 =	por !p2, p0  }
0x20: {  	[sflag:s8] =	ssyncset.s32 @!p0 $0xFFFFF086;
	s6 =	sadd.s32 @!p0 s3, s7;
	s7 =	simm.s32 @!p0 $0x108  }
0x21: {  	s3 =	sadd.s32 s3, s9;
	s6 =	sadd.s32 @!p0 $0x88, s6;
	s7 =	simm.s32 @p2 $0x1082  }
0x22: {  	[simem:s7], [sflag:s8] =	dma.local @!p0 [hbm:s6], $0xF7A  }
0x23: {  	s9 =	sor.u32 $0xD0000000, s2;
	s6 =	simm.s32 $0x108;
	_ =	swait.ge @!p0 [sflag:s8], $0x0  }
0x24: {  	s3 =	sadd.s32 $0x88, s3;
	s6 =	simm.s32 @!p1 $0x1082;
	[sflag:s4] =	ssyncset.s32 $0xFFFFF086  }
0x25: {  	[simem:s6], [sflag:s4] =	dma.local [hbm:s3], $0xF7A  }
0x26: {  	[smem:$0x3F9B] =	sst s1;
	(tag) =	ssettag s2;
	_ =	strace s9  }
0x27: {  	s1 =	sld [smem:$0x3FAB]  }
0x28: {  	s2 =	sld [smem:$0x3FAC]  }
0x29: {  	s4 =	sld [smem:$0x3FAE]  }
0x2a: {  	p0 =	seq.s32 s5, $0x0;
	s5 =	sld [smem:$0x3FAF]  }
0x2b: {  	s6 =	sld [smem:$0x3FB0]  }
0x2c: {  	s7 =	sld [smem:$0x3FB1]  }
0x2d: {  	s3 =	simm.s32 $0x108;
	s8 =	sld [smem:$0x3FB2]  }
0x2e: {  	s3 =	simm.s32 @!p0 $0x1082;
	s9 =	sld [smem:$0x3FB3]  }
0x2f: {  	lr =	sadd.s32 s0, s3;
	s0 =	sld [smem:$0x3FAA]  }
0x30: {  	s3 =	sld [smem:$0x3FAD]  }
0x31: {  	[smem:$0x3FB6] =	sst s10  }
0x32: {  	s10 =	sld [smem:$0x3FB4];
	_ =	sdelay $0x3  }
0x33: {  	p0 =	seq.s32 s10, $0x1;
	s10 =	sld [smem:$0x3FB6];
	_ =	sdelay $0x3  }
0x34: {  	[smem:$0x3FB6] =	sst s10  }
0x35: {  	s10 =	sld [smem:$0x3FB5];
	_ =	sdelay $0x3  }
0x36: {  	p1 =	seq.s32 s10, $0x1;
	s10 =	sld [smem:$0x3FB6];
	_ =	sdelay $0x3  }
0x37: {  	[smem:$0x3FB6] =	sst s10  }
0x38: {  	s10 =	sld [smem:$0x3FB7]  }
0x39: {  	_ = 	snop;
	(pc) =	sbr.ind lr, $3  }
0x3a: {  	_ = 	snop  }
0x3b: {  	_ = 	snop  }
0x3c: {  	p2 =	seq.s32 s10, $0x1;
	s10 =	sld [smem:$0x3FB6]  }
0x3d: {  	_ =	shalt  }
0x3e: {  	_ =	shalt  }
0x3f: {  	_ =	shalt  }
0x40: {  	_ =	shalt  }
0x41: {  	_ =	shalt  }
0x42: {  	_ =	shalt  }
0x43: {  	_ =	shalt  }
0x44: {  	_ =	shalt  }
0x45: {  	_ =	shalt  }
0x46: {  	_ =	shalt  }
0x47: {  	_ =	shalt  }
0x48: {  	_ =	shalt  }
0x49: {  	_ =	shalt  }
0x4a: {  	_ =	shalt  }
0x4b: {  	_ =	shalt  }
0x4c: {  	_ =	shalt  }
0x4d: {  	_ =	shalt  }
0x4e: {  	_ =	shalt  }
0x4f: {  	_ =	shalt  }
0x50: {  	_ =	shalt  }
0x51: {  	_ =	shalt  }
0x52: {  	_ =	shalt  }
0x53: {  	_ =	shalt  }
0x54: {  	_ =	shalt  }
0x55: {  	_ =	shalt  }
0x56: {  	_ =	shalt  }
0x57: {  	_ =	shalt  }
0x58: {  	_ =	shalt  }
0x59: {  	_ =	shalt  }
0x5a: {  	_ =	shalt  }
0x5b: {  	_ =	shalt  }
0x5c: {  	_ =	shalt  }
0x5d: {  	_ =	shalt  }
0x5e: {  	_ =	shalt  }
0x5f: {  	_ =	shalt  }
0x60: {  	_ =	shalt  }
0x61: {  	_ =	shalt  }
0x62: {  	_ =	shalt  }
0x63: {  	_ =	shalt  }
0x64: {  	_ =	shalt  }
0x65: {  	_ =	shalt  }
0x66: {  	_ =	shalt  }
0x67: {  	_ =	shalt  }
0x68: {  	_ =	shalt  }
0x69: {  	_ =	shalt  }
0x6a: {  	_ =	shalt  }
0x6b: {  	_ =	shalt  }
0x6c: {  	_ =	shalt  }
0x6d: {  	_ =	shalt  }
0x6e: {  	_ =	shalt  }
0x6f: {  	_ =	shalt  }
0x70: {  	_ =	shalt  }
0x71: {  	_ =	shalt  }
0x72: {  	_ =	shalt  }
0x73: {  	_ =	shalt  }
0x74: {  	_ =	shalt  }
0x75: {  	_ =	shalt  }
0x76: {  	_ =	shalt  }
0x77: {  	_ =	shalt  }
0x78: {  	_ =	shalt  }
0x79: {  	_ =	shalt  }
0x7a: {  	_ =	shalt  }
0x7b: {  	_ =	shalt  }
0x7c: {  	_ =	shalt  }
0x7d: {  	_ =	shalt  }
0x7e: {  	_ =	shalt  }
0x7f: {  	_ =	shalt  }
0x80: {  	_ =	shalt  }
0x81: {  	_ =	shalt  }
0x82: {  	_ =	shalt  }
0x83: {  	_ =	shalt  }
0x84: {  	_ =	shalt  }
0x85: {  	_ =	shalt  }
0x86: {  	_ =	shalt  }
0x87: {  	_ =	shalt  }
.Lfunc_end0:
.L_simem_size_0:
called_computation.2_lowered:
.L_overlay_start_0:
0x88: {  	s2 =	sld [smem:$0x3FD9]  }
0x89: {  	s3 =	sld [smem:$0x3FFE];
	_ =	sdelay $0x1  }
0x8a: {  	s1 =	srdreg.scid  }
0x8b: {  	s0 =	sand.u32 $0x1, s1  }
0x8c: {  	s17 =	sshll.u32 s0, $0xA;
	s2 =	sadd.s32 s3, s2  }
0x8d: {  	s2 =	sadd.s32 s2, s17  }
0x8e: {  	[smem:$0x3FC2] =	sst s2  }
0x8f: {  	_ = 	snop  }
0x90: {  	s2 =	sld [smem:$0x3FD0];
	(tm) =	ssettm $0x1  }
0x91: {  	s18 =	sld [smem:$0x3FFB];
	_ =	sdelay $0x3  }
0x92: {  	_ =	strace s18  }
0x93: {  	s3 =	sld [smem:$0x3FFC];
	_ =	sdelay $0x3  }
0x94: {  	_ =	strace s3  }
0x95: {  	s3 =	sld [smem:$0x3FFD];
	_ =	sdelay $0x3  }
0x96: {  	_ =	strace s3  }
0x97: {  	_ =	strace $0x8FFFFFFF  }
0x98: {  	s19 =	sld [smem:$0x3FDB];
	_ =	sdelay $0x1  }
0x99: {  	s4 =	simm.s32 $_scs_section_size  }
0x9a: {  	s5 =	simm.s32 $_size__tile_overlayer_lowered;
	s6 =	simm.s32 $_tile_overlayer_lowered  }
0x9b: {  	s22 =	simm.s32 $0x1BFF;
	s21 =	sshll.u32 s6, $0x1;
	s3 =	sadd.s32 s4, s19  }
0x9c: {  	s7 =	simm.s32 $0x0;
	s20 =	sshll.u32 s5, $0x1;
	s5 =	sadd.s32 s21, s3  }
0x9d: {  	[timem:s7], [sflag:s22] =	dma.local [hbm:s5], s20  }
0x9e: {  	_ =	swait.ge [sflag:s22], s20  }
0x9f: {  	s4 =	ssub.s32 $0x0, s20;
	[sflag:s22] =	ssyncset.done $0x0  }
0xa0: {  	[sflag:s22] =	ssyncadd.s32 s4;
	_ =	sdelay $0x1  }
0xa1: {  	s23 =	simm.s32 $0x1B8B  }
0xa2: {  	_ =	swait.ge [sflag:s23], $0x1  }
0xa3: {  	[sflag:s23] =	ssyncset.done $0x0  }
0xa4: {  	s25 =	simm.s32 $0x1B8E;
	s24 =	sld [smem:$0x3FFE];
	[sflag:s23] =	ssyncadd.s32 $0xFFFFFFFF  }
0xa5: {  	s26 =	simm.s32 $execute0_lowered;
	[smem:$0x3FD2] =	sst s25  }
0xa6: {  	s5 =	sshll.u32 s26, $0x1;
	_ =	strace $0x8000004C;
	[dreg:$0x1] =	wrdreg $0xFFFFFFFF  }
0xa7: {  	s28 =	simm.s32 $_size_execute0_lowered;
	s3 =	sadd.s32 s3, s5;
	[dreg:$0x0] =	wrdreg $0x0  }
0xa8: {  	s5 =	sshll.u32 s28, $0x1;
	[dreg:$0x2] =	wrdreg s3  }
0xa9: {  	[dreg:$0x3] =	wrdreg s5  }
0xaa: {  	[dreg:$0x4] =	wrdreg $0xC0  }
0xab: {  	_ =	task [dreg:s7], $0x5FFFF  }
0xac: {  	[dreg:$0x1] =	wrdreg $0xFFFFFFFF  }
0xad: {  	[dreg:$0x0] =	wrdreg $0x60  }
0xae: {  	[dreg:$0x2] =	wrdreg s2  }
0xaf: {  	[dreg:$0x3] =	wrdreg s24  }
0xb0: {  	[dreg:$0x4] =	wrdreg $0x90000  }
0xb1: {  	[dreg:$0x5] =	wrdreg $0x9  }
0xb2: {  	_ =	task.clear_ibuf [dreg:s7], $0x6FFFF;
	_ =	strace $0x9000004C  }
0xb3: {  	s29 =	simm.s32 $0x9;
	_ =	strace $0x8000004E  }
0xb4: {  	_ =	swait.ge [sflag:s29], $0x1  }
0xb5: {  	[sflag:s29] =	ssyncadd.s32 $0xFFFFFFFF  }
0xb6: {  	_ =	strace $0x9000004E  }
0xb7: {  	_ =	sfence  }
0xb8: {  	s30 =	sld [smem:$0x0];
	_ =	sdelay $0x2  }
0xb9: {  	s31 =	sshll.u32 s1, $0xD;
	s1 =	sshrl.u32 s1, $0x2  }
0xba: {  	s3 =	sand.u32 $0x4000, s31;
	s1 =	sadd.s32 s1, s30  }
0xbb: {  	s0 =	sor.u32 s3, s0;
	s1 =	sshll.u32 s1, $0x11  }
0xbc: {  	s0 =	sor.u32 s1, s0  }
0xbd: {  	s0 =	sadd.s32 $0x8F2B, s0  }
0xbe: {  	[sflag:s0] =	ssyncadd.remote.s32 $0x1  }
0xbf: {  	_ =	sfence.sel $0xFFFF  }
0xc0: {  	[dreg:$0x0] =	wrdreg $0xFFFFFFFF;
	(pc) =	sbr.abs _section_cstart, $3  }
0xc1: {  	[dreg:$0x1] =	wrdreg $0xFFFFFFFF  }
0xc2: {  	_ =	task.clear_ibuf [dreg:s7], $0x2FFFF;
	_ =	strace $0x9FFFFFFF  }
0xc3: {  	(tm) =	ssettm $0x7FFFFFFF  }
tec
execute0_lowered:
.L_overlay_start_1:
0x0: {  	(tag) =	ssettag $0x1  }
0x1: {  	s1 =	rddreg [dreg:$0x0]  }
0x2: {  	s0 =	srdreg.scid;
	s6 =	rddreg [dreg:$0x1]  }
0x3: {  	s12 =	stileid.u32;
	s3 =	rddreg [dreg:$0x2]  }
0x4: {  	s4 =	simm.s32 $0x0;
	s13 =	simm.s32 $0x2800;
	s14 =	simm.s32 $0x80  }
0x5: {  	s15 =	simm.s32 $0x5000;
	s16 =	simm.s32 $0x6000;
	s18 =	simm.s32 $0x7000  }
0x6: {  	s20 =	simm.s32 $0x8000;
	s21 =	simm.s32 $0x1;
	s23 =	simm.s32 $0x2  }
0x7: {  	s28 =	simm.s32 $0x280;
	s29 =	simm.s32 $0x2980;
	s30 =	simm.s32 $0x300  }
0x8: {  	s31 =	simm.s32 $0x0;
	s0 =	sand.u32 $0x1, s0;
	s9 =	smul.u32 $0x7D00, s12  }
0x9: {  	[smem:$0x7FF] =	sst s4;
	s8 =	smul.u32 $0x1F400, s12;
	p0 =	sgt.u32 s12, $0x9  }
0xa: {  	s2 =	sshll.u32 s0, $0x4;
	s5 =	smul.u32 $0x4E200, s0;
	s0 =	ssub.s32 $0x2, s0  }
0xb: {  	_ =	strace $0x8000004D;
	s2 =	sor.u32 s12, s2;
	s25 =	sshrl.u32 s0, $0x1  }
0xc: {  	s26 =	sshrl.u32 s8, $0x2;
	s2 =	smul.u32 $0x500, s2;
	s7 =	sadd.s32 s9, s5  }
0xd: {  	s5 =	sadd.s32 $0x15E00, s6;
	s0 =	ssub.s32 s0, s25;
	s11 =	sadd.s32 s26, s3  }
.Ltmp0:
0xe: {  	s26 =	simm.s32 $0x2900;
	s7 =	sshrl.u32 s7, $0x3;
	(pc) =	sbr.rel .LBB2_1-.Ltmp0, $4  }
0xf: {  	s11 =	sshrl.u32 @!p0 s11, $0x3;
	s2 =	sadd.s32 s2, s6;
	s10 =	sadd.s32 s7, s6  }
0x10: {  	s6 =	sadd.s32 $0xBE00, s2;
	s7 =	sadd.s32 $0x1E00, s2;
	s8 =	sadd.s32 $0x16E00, s10  }
0x11: {  	s2 =	sadd.s32 s9, s3;
	s9 =	smax.u32 s0, $0x1;
	s0 =	sshll.u32 @!p0 s12, $0x6  }
0x12: {  	s12 =	simm.s32 $0x3;
	s10 =	sor.u32 @!p0 $0x1C03, s0;
	s25 =	sshrl.u32 @!p0 s2, $0x3  }
.LBB2_4:
0x13: {  	_ =	swait.ge [sflag:s23], $0x1000  }
0x14: {  	s31 =	sadd.s32 $0x1, s31;
	[sflag:s23] =	ssyncset.done $0x0  }
0x15: {  	p1 =	sne.s32 s31, s9;
	[sflag:s23] =	ssyncadd.s32 $0xFFFFF000  }
.Ltmp1:
0x16: {  	s0 =	simm.s32 @!p0 $0x3;
	[bflag:$0x0] =	sbarrier.arrive $0xFFFF;
	(pc) =	sbr.rel @!p1 .LBB2_5-.Ltmp1, $4  }
0x17: {  	[hbm:s8], [sflag:s10] =	dma.local @!p0 [spmem:s25], $0xFA0  }
0x18: {  	_ =	swait.ge @!p0 [sflag:s0], $0xFA0  }
0x19: {  	[sflag:s0] =	ssyncset.done @!p0 $0x0  }
0x1a: {  	[sflag:s0] =	ssyncadd.s32 @!p0 $0xFFFFF060  }
.LBB2_1:
0x1b: {  	[spmem:s11], [sflag:s10] =	dma.local @!p0 [hbm:s5], $0xFA0  }
0x1c: {  	s0 =	simm.s32 @!p0 $0x3  }
0x1d: {  	_ =	swait.ge @!p0 [sflag:s0], $0xFA0  }
0x1e: {  	[sflag:s0] =	ssyncset.done @!p0 $0x0  }
0x1f: {  	[sflag:s0] =	ssyncadd.s32 @!p0 $0xFFFFF060  }
0x20: {  	[tilespmem:s4], [sflag:$0x3] =	stream.linear.gather [hbm4b:s6+s4], $0x2800, $0x38;
	[tilespmem:$0xDE30] =	vst v63  }
0x21: {  	_ =	swait.ge [sflag:s12], $0x2800  }
0x22: {  	[sflag:s12] =	ssyncset.done $0x0  }
0x23: {  	[sflag:s12] =	ssyncadd.s32 $0xFFFFD800  }
0x24: {  	[tilespmem:s13], [sflag:$0x3] =	stream.linear.gather [hbm4b:s7+s4], $0x2800, $0x38;
	[tilespmem:$0xDE30] =	vst v63  }
0x25: {  	_ =	swait.ge [sflag:s12], $0x2800  }
0x26: {  	[sflag:s12] =	ssyncset.done $0x0  }
0x27: {  	[sflag:s12] =	ssyncadd.s32 $0xFFFFD800  }
0x28: {  	[bflag:$0x0] =	sbarrier.arrive $0xFFFF  }
0x29: {  	[tilespmem:s15], [sflag:$0x1] =	stream.indirect.gather [hbm4b:s1+s14], $0x20, s4, s14, $0xb8;
	[tilespmem:$0xDE30] =	vst v63  }
0x2a: {  	_ = 	snop  }
0x2b: {  	[tilespmem:s16], [sflag:$0x1] =	stream.indirect.gather [hbm4b:s1+s14], $0x20, s14, s14, $0xb8;
	[tilespmem:$0xDE30] =	vst v63  }
0x2c: {  	s17 =	simm.s32 $0x100  }
0x2d: {  	[tilespmem:s18], [sflag:$0x1] =	stream.indirect.gather [hbm4b:s1+s14], $0x20, s17, s14, $0xb8;
	[tilespmem:$0xDE30] =	vst v63  }
0x2e: {  	s19 =	simm.s32 $0x180  }
0x2f: {  	[tilespmem:s20], [sflag:$0x1] =	stream.indirect.gather [hbm4b:s1+s14], $0x20, s19, s14, $0xb8;
	[tilespmem:$0xDE30] =	vst v63  }
0x30: {  	_ =	swait.ge [sflag:s21], $0x1000  }
0x31: {  	[sflag:s21] =	ssyncset.done $0x0  }
0x32: {  	[sflag:s21] =	ssyncadd.s32 $0xFFFFF000  }
0x33: {  	[spmem:s3] =	stream.indirect.scatter.add.f32 [tilespmem:s15], [sflag:$0x2], $0x20, s13, s14, $0xb8;
	[tilespmem:$0xDE30] =	vst v63  }
0x34: {  	_ =	swait.ge [sflag:s21], $0x1000  }
0x35: {  	[sflag:s21] =	ssyncset.done $0x0  }
0x36: {  	s22 =	simm.s32 $0x2880;
	[sflag:s21] =	ssyncadd.s32 $0xFFFFF000  }
0x37: {  	[spmem:s3] =	stream.indirect.scatter.add.f32 [tilespmem:s16], [sflag:$0x2], $0x20, s22, s14, $0xb8;
	[tilespmem:$0xDE30] =	vst v63  }
0x38: {  	_ =	swait.ge [sflag:s23], $0x1000  }
0x39: {  	[sflag:s23] =	ssyncset.done $0x0  }
0x3a: {  	s24 =	simm.s32 $0x200;
	[sflag:s23] =	ssyncadd.s32 $0xFFFFF000  }
0x3b: {  	[tilespmem:s15], [sflag:$0x1] =	stream.indirect.gather [hbm4b:s1+s14], $0x20, s24, s14, $0xb8;
	[tilespmem:$0xDE30] =	vst v63  }
0x3c: {  	_ =	swait.ge [sflag:s21], $0x1000  }
0x3d: {  	[sflag:s21] =	ssyncset.done $0x0  }
0x3e: {  	[sflag:s21] =	ssyncadd.s32 $0xFFFFF000  }
0x3f: {  	[spmem:s3] =	stream.indirect.scatter.add.f32 [tilespmem:s18], [sflag:$0x2], $0x20, s26, s14, $0xb8;
	[tilespmem:$0xDE30] =	vst v63  }
0x40: {  	_ =	swait.ge [sflag:s23], $0x1000  }
0x41: {  	[sflag:s23] =	ssyncset.done $0x0  }
0x42: {  	[sflag:s23] =	ssyncadd.s32 $0xFFFFF000  }
0x43: {  	[tilespmem:s16], [sflag:$0x1] =	stream.indirect.gather [hbm4b:s1+s14], $0x20, s28, s14, $0xb8;
	[tilespmem:$0xDE30] =	vst v63  }
0x44: {  	_ =	swait.ge [sflag:s21], $0x1000  }
0x45: {  	[sflag:s21] =	ssyncset.done $0x0  }
0x46: {  	[sflag:s21] =	ssyncadd.s32 $0xFFFFF000  }
0x47: {  	[spmem:s3] =	stream.indirect.scatter.add.f32 [tilespmem:s20], [sflag:$0x2], $0x20, s29, s14, $0xb8;
	[tilespmem:$0xDE30] =	vst v63  }
0x48: {  	_ =	swait.ge [sflag:s23], $0x1000  }
0x49: {  	[sflag:s23] =	ssyncset.done $0x0  }
0x4a: {  	s2 =	simm.s32 $0x0;
	[sflag:s23] =	ssyncadd.s32 $0xFFFFF000  }
0x4b: {  	[tilespmem:s18], [sflag:$0x1] =	stream.indirect.gather [hbm4b:s1+s14], $0x20, s30, s14, $0xb8;
	[tilespmem:$0xDE30] =	vst v63  }
.LBB2_2:
0x4c: {  	_ =	swait.ge [sflag:s21], $0x1000  }
0x4d: {  	s0 =	sshra.s32 s2, $0x2;
	[sflag:s21] =	ssyncset.done $0x0  }
0x4e: {  	s17 =	sadd.s32 $0x2A00, s0;
	[sflag:s21] =	ssyncadd.s32 $0xFFFFF000  }
0x4f: {  	[spmem:s3] =	stream.indirect.scatter.add.f32 [tilespmem:s15], [sflag:$0x2], $0x20, s17, s14, $0xb8;
	[tilespmem:$0xDE30] =	vst v63  }
0x50: {  	_ =	swait.ge [sflag:s23], $0x1000  }
0x51: {  	[sflag:s23] =	ssyncset.done $0x0  }
0x52: {  	s19 =	sadd.s32 $0x380, s0;
	[sflag:s23] =	ssyncadd.s32 $0xFFFFF000  }
0x53: {  	[tilespmem:s20], [sflag:$0x1] =	stream.indirect.gather [hbm4b:s1+s14], $0x20, s19, s14, $0xb8;
	[tilespmem:$0xDE30] =	vst v63  }
0x54: {  	_ =	swait.ge [sflag:s21], $0x1000  }
0x55: {  	[sflag:s21] =	ssyncset.done $0x0  }
0x56: {  	s22 =	sadd.s32 $0x2A80, s0;
	[sflag:s21] =	ssyncadd.s32 $0xFFFFF000  }
0x57: {  	[spmem:s3] =	stream.indirect.scatter.add.f32 [tilespmem:s16], [sflag:$0x2], $0x20, s22, s14, $0xb8;
	[tilespmem:$0xDE30] =	vst v63  }
0x58: {  	_ =	swait.ge [sflag:s23], $0x1000  }
0x59: {  	p1 =	seq.s32 s2, $0x9000;
	[sflag:s23] =	ssyncset.done $0x0  }
0x5a: {  	s17 =	simm.s32 @p1 $0x1;
	[sflag:s23] =	ssyncadd.s32 $0xFFFFF000  }
0x5b: {  	_ =	swait.ge @p1 [sflag:s17], $0x1000  }
0x5c: {  	[sflag:s17] =	ssyncset.done @p1 $0x0  }
0x5d: {  	[sflag:s17] =	ssyncadd.s32 @p1 $0xFFFFF000;
	s17 =	sshra.s32 @p1 s2, $0x2  }
0x5e: {  	s19 =	simm.s32 @p1 $0x80;
	s22 =	simm.s32 @p1 $0x7000;
	s17 =	sadd.s32 @p1 $0x2B00, s17  }
0x5f: {  	[spmem:s3] =	stream.indirect.scatter.add.f32 @p1 [tilespmem:s22], [sflag:$0x2], $0x20, s17, s19, $0xb8;
	[tilespmem:$0xDE30] =	vst v63  }
0x60: {  	s17 =	simm.s32 @p1 $0x2  }
0x61: {  	_ =	swait.ge @p1 [sflag:s17], $0x1000  }
0x62: {  	[sflag:s17] =	ssyncset.done @p1 $0x0  }
0x63: {  	[sflag:s17] =	ssyncadd.s32 @p1 $0xFFFFF000;
	s17 =	sshra.s32 @!p1 s2, $0x2  }
0x64: {  	s24 =	simm.s32 @!p1 $0x5000;
	s22 =	simm.s32 @!p1 $0x80;
	s19 =	sadd.s32 @!p1 $0x400, s17  }
0x65: {  	[tilespmem:s24], [sflag:$0x1] =	stream.indirect.gather @!p1 [hbm4b:s1+s22], $0x20, s19, s22, $0xb8;
	[tilespmem:$0xDE30] =	vst v63  }
0x66: {  	s19 =	simm.s32 @!p1 $0x1  }
0x67: {  	_ =	swait.ge @!p1 [sflag:s19], $0x1000  }
0x68: {  	[sflag:s19] =	ssyncset.done @!p1 $0x0  }
0x69: {  	s24 =	simm.s32 @!p1 $0x7000;
	[sflag:s19] =	ssyncadd.s32 @!p1 $0xFFFFF000;
	s19 =	sadd.s32 @!p1 $0x2B00, s17  }
0x6a: {  	[spmem:s3] =	stream.indirect.scatter.add.f32 @!p1 [tilespmem:s24], [sflag:$0x2], $0x20, s19, s22, $0xb8;
	[tilespmem:$0xDE30] =	vst v63  }
0x6b: {  	s19 =	simm.s32 @!p1 $0x2  }
0x6c: {  	_ =	swait.ge @!p1 [sflag:s19], $0x1000  }
0x6d: {  	[sflag:s19] =	ssyncset.done @!p1 $0x0  }
0x6e: {  	s17 =	sadd.s32 @!p1 $0x480, s17;
	[sflag:s19] =	ssyncadd.s32 @!p1 $0xFFFFF000;
	s19 =	simm.s32 @!p1 $0x6000  }
0x6f: {  	[tilespmem:s19], [sflag:$0x1] =	stream.indirect.gather @!p1 [hbm4b:s1+s22], $0x20, s17, s22, $0xb8;
	[tilespmem:$0xDE30] =	vst v63  }
0x70: {  	_ =	swait.ge [sflag:s21], $0x1000  }
0x71: {  	[sflag:s21] =	ssyncset.done $0x0  }
.Ltmp2:
0x72: {  	s24 =	sadd.s32 $0x2B80, s0;
	[sflag:s21] =	ssyncadd.s32 $0xFFFFF000;
	(pc) =	sbr.rel @p1 .LBB2_4-.Ltmp2, $4  }
0x73: {  	[spmem:s3] =	stream.indirect.scatter.add.f32 [tilespmem:s20], [sflag:$0x2], $0x20, s24, s14, $0xb8;
	[tilespmem:$0xDE30] =	vst v63  }
0x74: {  	_ =	swait.ge [sflag:s23], $0x1000  }
0x75: {  	[sflag:s23] =	ssyncset.done $0x0  }
0x76: {  	[sflag:s23] =	ssyncadd.s32 $0xFFFFF000  }
.Ltmp3:
0x77: {  	(pc) =	sbr.rel .LBB2_2-.Ltmp3, $3  }
0x78: {  	_ =	sdelay $0x1  }
0x79: {  	s0 =	sadd.s32 $0x500, s0;
	s2 =	sadd.s32 $0x800, s2  }
0x7a: {  	[tilespmem:s18], [sflag:$0x1] =	stream.indirect.gather [hbm4b:s1+s14], $0x20, s0, s14, $0xb8;
	[tilespmem:$0xDE30] =	vst v63  }
.LBB2_5:
0x7b: {  	_ =	sfence.sel $0x180000  }
0x7c: {  	[bflag:$0x0] =	sbarrier.arrive $0xFFFF  }
0x7d: {  	_ =	strace $0x9000004D  }
0x7e: {  	s0 =	stileid.u32;
	[bflag:$0x2] =	sbarrier.arrive $0xFFFF  }
0x7f: {  	p0 =	sne.s32 s0, $0x0;
	s0 =	rddreg [dreg:$0x3]  }
0x80: {  	s0 =	sadd.s32 @!p0 $0x100000, s0  }
0x81: {  	[sflag:s0] =	ssyncadd.tile.s32 @!p0 $0x1;
	_ =	shalt  }
.Lfunc_end2:
_tile_overlayer_lowered:
.L_overlay_start_2:
0x82: {  	(tag) =	ssettag $0x2  }
0x83: {  	s0 =	rddreg [dreg:$0x0];
	s2 =	stileid.u32  }
0x84: {  	s1 =	rddreg [dreg:$0x1];
	p0 =	sne.s32 s2, $0x0  }
0x85: {  	s3 =	rddreg [dreg:$0x2];
	[bflag:$0x3] =	sbarrier.arrive $0xFFFF;
	s2 =	simm.s32 @!p0 $0x1C03  }
0x86: {  	[timem:s3], [sflag:s2] =	dma.local @!p0 [hbm:s0], s1  }
0x87: {  	s0 =	simm.s32 @!p0 $0x3  }
0x88: {  	_ =	swait.ge @!p0 [sflag:s0], s1  }
0x89: {  	s1 =	ssub.s32 @!p0 $0x0, s1;
	[sflag:s0] =	ssyncset.done @!p0 $0x0  }
0x8a: {  	[sflag:s0] =	ssyncadd.s32 @!p0 s1  }
0x8b: {  	[bflag:$0x3] =	sbarrier.arrive $0xFFFF  }
0x8c: {  	_ =	shalt  }

// kernel: kernel.8.cloned.1.call-start
scs
__scs_entry_jumppad:
0x0: {  	(pc) =	sbr.rel $0x88, $3  }
0x1: {  	(tag) =	ssettag $0x0;
	lr =	simm.s32 $0x1  }
0x2: {  	[smem:$0x3F9B] =	sst lr;
	_ =	strace $0xD0000000  }
0x3: {  	_ = 	snop  }
0x4: {  	_ = 	snop  }
0x5: {  	_ = 	snop  }
0x6: {  	_ = 	snop  }
0x7: {  	_ = 	snop  }
__scs_overlays_trampoline_lowered:
0x8: {  	[smem:$0x3FAA] =	sst s0  }
0x9: {  	[smem:$0x3FAB] =	sst s1  }
0xa: {  	[smem:$0x3FAC] =	sst s2  }
0xb: {  	[smem:$0x3FAD] =	sst s3  }
0xc: {  	[smem:$0x3FAE] =	sst s4  }
0xd: {  	[smem:$0x3FAF] =	sst s5  }
0xe: {  	[smem:$0x3FB0] =	sst s6  }
0xf: {  	[smem:$0x3FB1] =	sst s7  }
0x10: {  	[smem:$0x3FB2] =	sst s8  }
0x11: {  	[smem:$0x3FB3] =	sst s9;
	s0 =	simm.s32 @!p0 $0x0  }
0x12: {  	s1 =	sld [smem:$0x3F99];
	s0 =	simm.s32 @p0 $0x1  }
0x13: {  	[smem:$0x3FB4] =	sst s0;
	s0 =	simm.s32 @!p1 $0x0  }
0x14: {  	s2 =	sld [smem:$0x3F98];
	s0 =	simm.s32 @p1 $0x1  }
0x15: {  	[smem:$0x3FB5] =	sst s0;
	s0 =	simm.s32 @!p2 $0x0  }
0x16: {  	s3 =	sld [smem:$0x3FDB];
	s0 =	simm.s32 @p2 $0x1  }
0x17: {  	s4 =	simm.s32 $0x1BF5;
	[smem:$0x3FB7] =	sst s0  }
0x18: {  	s0 =	sld [smem:$0x3F9A];
	_ =	swait.ge [sflag:s4], $0x0  }
0x19: {  	s7 =	sld [smem:$0x3F9B]  }
0x1a: {  	s8 =	sadd.s32 $0xFFFFE003, lr  }
0x1b: {  	s9 =	sadd.s32 $0xFFFFFEF7, lr;
	s5 =	simm.s32 $0xFFFFFFFF;
	p2 =	slt.u32 s8, $0xFFFFF086  }
0x1c: {  	p1 =	slt.u32 s9, $0xF7A;
	s5 =	simm.s32 @!p2 $0x0  }
0x1d: {  	s5 =	simm.s32 @p1 $0x1;
	p0 =	seq.s32 s7, s2  }
0x1e: {  	s7 =	smul.u32 @!p0 $0xF7A, s2;
	p2 =	seq.s32 @!p0 s5, $0x0  }
0x1f: {  	s9 =	smul.u32 $0xF7A, s1;
	s8 =	simm.s32 @!p0 $0x1BF5;
	p2 =	por !p2, p0  }
0x20: {  	[sflag:s8] =	ssyncset.s32 @!p0 $0xFFFFF086;
	s6 =	sadd.s32 @!p0 s3, s7;
	s7 =	simm.s32 @!p0 $0x108  }
0x21: {  	s3 =	sadd.s32 s3, s9;
	s6 =	sadd.s32 @!p0 $0x88, s6;
	s7 =	simm.s32 @p2 $0x1082  }
0x22: {  	[simem:s7], [sflag:s8] =	dma.local @!p0 [hbm:s6], $0xF7A  }
0x23: {  	s9 =	sor.u32 $0xD0000000, s2;
	s6 =	simm.s32 $0x108;
	_ =	swait.ge @!p0 [sflag:s8], $0x0  }
0x24: {  	s3 =	sadd.s32 $0x88, s3;
	s6 =	simm.s32 @!p1 $0x1082;
	[sflag:s4] =	ssyncset.s32 $0xFFFFF086  }
0x25: {  	[simem:s6], [sflag:s4] =	dma.local [hbm:s3], $0xF7A  }
0x26: {  	[smem:$0x3F9B] =	sst s1;
	(tag) =	ssettag s2;
	_ =	strace s9  }
0x27: {  	s1 =	sld [smem:$0x3FAB]  }
0x28: {  	s2 =	sld [smem:$0x3FAC]  }
0x29: {  	s4 =	sld [smem:$0x3FAE]  }
0x2a: {  	p0 =	seq.s32 s5, $0x0;
	s5 =	sld [smem:$0x3FAF]  }
0x2b: {  	s6 =	sld [smem:$0x3FB0]  }
0x2c: {  	s7 =	sld [smem:$0x3FB1]  }
0x2d: {  	s3 =	simm.s32 $0x108;
	s8 =	sld [smem:$0x3FB2]  }
0x2e: {  	s3 =	simm.s32 @!p0 $0x1082;
	s9 =	sld [smem:$0x3FB3]  }
0x2f: {  	lr =	sadd.s32 s0, s3;
	s0 =	sld [smem:$0x3FAA]  }
0x30: {  	s3 =	sld [smem:$0x3FAD]  }
0x31: {  	[smem:$0x3FB6] =	sst s10  }
0x32: {  	s10 =	sld [smem:$0x3FB4];
	_ =	sdelay $0x3  }
0x33: {  	p0 =	seq.s32 s10, $0x1;
	s10 =	sld [smem:$0x3FB6];
	_ =	sdelay $0x3  }
0x34: {  	[smem:$0x3FB6] =	sst s10  }
0x35: {  	s10 =	sld [smem:$0x3FB5];
	_ =	sdelay $0x3  }
0x36: {  	p1 =	seq.s32 s10, $0x1;
	s10 =	sld [smem:$0x3FB6];
	_ =	sdelay $0x3  }
0x37: {  	[smem:$0x3FB6] =	sst s10  }
0x38: {  	s10 =	sld [smem:$0x3FB7]  }
0x39: {  	_ = 	snop;
	(pc) =	sbr.ind lr, $3  }
0x3a: {  	_ = 	snop  }
0x3b: {  	_ = 	snop  }
0x3c: {  	p2 =	seq.s32 s10, $0x1;
	s10 =	sld [smem:$0x3FB6]  }
0x3d: {  	_ =	shalt  }
0x3e: {  	_ =	shalt  }
0x3f: {  	_ =	shalt  }
0x40: {  	_ =	shalt  }
0x41: {  	_ =	shalt  }
0x42: {  	_ =	shalt  }
0x43: {  	_ =	shalt  }
0x44: {  	_ =	shalt  }
0x45: {  	_ =	shalt  }
0x46: {  	_ =	shalt  }
0x47: {  	_ =	shalt  }
0x48: {  	_ =	shalt  }
0x49: {  	_ =	shalt  }
0x4a: {  	_ =	shalt  }
0x4b: {  	_ =	shalt  }
0x4c: {  	_ =	shalt  }
0x4d: {  	_ =	shalt  }
0x4e: {  	_ =	shalt  }
0x4f: {  	_ =	shalt  }
0x50: {  	_ =	shalt  }
0x51: {  	_ =	shalt  }
0x52: {  	_ =	shalt  }
0x53: {  	_ =	shalt  }
0x54: {  	_ =	shalt  }
0x55: {  	_ =	shalt  }
0x56: {  	_ =	shalt  }
0x57: {  	_ =	shalt  }
0x58: {  	_ =	shalt  }
0x59: {  	_ =	shalt  }
0x5a: {  	_ =	shalt  }
0x5b: {  	_ =	shalt  }
0x5c: {  	_ =	shalt  }
0x5d: {  	_ =	shalt  }
0x5e: {  	_ =	shalt  }
0x5f: {  	_ =	shalt  }
0x60: {  	_ =	shalt  }
0x61: {  	_ =	shalt  }
0x62: {  	_ =	shalt  }
0x63: {  	_ =	shalt  }
0x64: {  	_ =	shalt  }
0x65: {  	_ =	shalt  }
0x66: {  	_ =	shalt  }
0x67: {  	_ =	shalt  }
0x68: {  	_ =	shalt  }
0x69: {  	_ =	shalt  }
0x6a: {  	_ =	shalt  }
0x6b: {  	_ =	shalt  }
0x6c: {  	_ =	shalt  }
0x6d: {  	_ =	shalt  }
0x6e: {  	_ =	shalt  }
0x6f: {  	_ =	shalt  }
0x70: {  	_ =	shalt  }
0x71: {  	_ =	shalt  }
0x72: {  	_ =	shalt  }
0x73: {  	_ =	shalt  }
0x74: {  	_ =	shalt  }
0x75: {  	_ =	shalt  }
0x76: {  	_ =	shalt  }
0x77: {  	_ =	shalt  }
0x78: {  	_ =	shalt  }
0x79: {  	_ =	shalt  }
0x7a: {  	_ =	shalt  }
0x7b: {  	_ =	shalt  }
0x7c: {  	_ =	shalt  }
0x7d: {  	_ =	shalt  }
0x7e: {  	_ =	shalt  }
0x7f: {  	_ =	shalt  }
0x80: {  	_ =	shalt  }
0x81: {  	_ =	shalt  }
0x82: {  	_ =	shalt  }
0x83: {  	_ =	shalt  }
0x84: {  	_ =	shalt  }
0x85: {  	_ =	shalt  }
0x86: {  	_ =	shalt  }
0x87: {  	_ =	shalt  }
.Lfunc_end0:
.L_simem_size_0:
called_computation_lowered:
.L_overlay_start_0:
0x88: {  	s2 =	sld [smem:$0x3FD9]  }
0x89: {  	s3 =	sld [smem:$0x3FFE];
	_ =	sdelay $0x1  }
0x8a: {  	s1 =	srdreg.scid  }
0x8b: {  	s0 =	sand.u32 $0x1, s1  }
0x8c: {  	s17 =	sshll.u32 s0, $0xA;
	s2 =	sadd.s32 s3, s2  }
0x8d: {  	s2 =	sadd.s32 s2, s17  }
0x8e: {  	[smem:$0x3FC2] =	sst s2  }
0x8f: {  	_ = 	snop  }
0x90: {  	s2 =	sld [smem:$0x3FD0];
	(tm) =	ssettm $0x1  }
0x91: {  	s18 =	sld [smem:$0x3FFB];
	_ =	sdelay $0x3  }
0x92: {  	_ =	strace s18  }
0x93: {  	s3 =	sld [smem:$0x3FFC];
	_ =	sdelay $0x3  }
0x94: {  	_ =	strace s3  }
0x95: {  	s3 =	sld [smem:$0x3FFD];
	_ =	sdelay $0x3  }
0x96: {  	_ =	strace s3  }
0x97: {  	_ =	strace $0x8FFFFFFF  }
0x98: {  	s19 =	sld [smem:$0x3FDB];
	_ =	sdelay $0x1  }
0x99: {  	s4 =	simm.s32 $_scs_section_size  }
0x9a: {  	s5 =	simm.s32 $_size__tile_overlayer_lowered;
	s6 =	simm.s32 $_tile_overlayer_lowered  }
0x9b: {  	s22 =	simm.s32 $0x1BFF;
	s21 =	sshll.u32 s6, $0x1;
	s3 =	sadd.s32 s4, s19  }
0x9c: {  	s7 =	simm.s32 $0x0;
	s20 =	sshll.u32 s5, $0x1;
	s5 =	sadd.s32 s21, s3  }
0x9d: {  	[timem:s7], [sflag:s22] =	dma.local [hbm:s5], s20  }
0x9e: {  	_ =	swait.ge [sflag:s22], s20  }
0x9f: {  	s4 =	ssub.s32 $0x0, s20;
	[sflag:s22] =	ssyncset.done $0x0  }
0xa0: {  	[sflag:s22] =	ssyncadd.s32 s4;
	_ =	sdelay $0x1  }
0xa1: {  	s23 =	simm.s32 $0x1B8B  }
0xa2: {  	_ =	swait.ge [sflag:s23], $0x1  }
0xa3: {  	[sflag:s23] =	ssyncset.done $0x0  }
0xa4: {  	s25 =	simm.s32 $0x1B8E;
	s24 =	sld [smem:$0x3FFE];
	[sflag:s23] =	ssyncadd.s32 $0xFFFFFFFF  }
0xa5: {  	s26 =	simm.s32 $execute0_lowered;
	[smem:$0x3FD2] =	sst s25  }
0xa6: {  	s5 =	sshll.u32 s26, $0x1;
	_ =	strace $0x80000046;
	[dreg:$0x1] =	wrdreg $0xFFFFFFFF  }
0xa7: {  	s28 =	simm.s32 $_size_execute0_lowered;
	s3 =	sadd.s32 s3, s5;
	[dreg:$0x0] =	wrdreg $0x0  }
0xa8: {  	s5 =	sshll.u32 s28, $0x1;
	[dreg:$0x2] =	wrdreg s3  }
0xa9: {  	[dreg:$0x3] =	wrdreg s5  }
0xaa: {  	[dreg:$0x4] =	wrdreg $0xC0  }
0xab: {  	_ =	task [dreg:s7], $0x5FFFF  }
0xac: {  	[dreg:$0x1] =	wrdreg $0xFFFFFFFF  }
0xad: {  	[dreg:$0x0] =	wrdreg $0x60  }
0xae: {  	[dreg:$0x2] =	wrdreg s24  }
0xaf: {  	[dreg:$0x3] =	wrdreg s2  }
0xb0: {  	[dreg:$0x4] =	wrdreg $0x30000  }
0xb1: {  	[dreg:$0x5] =	wrdreg $0x9  }
0xb2: {  	_ =	task.clear_ibuf [dreg:s7], $0x6FFFF;
	_ =	strace $0x90000046  }
0xb3: {  	s29 =	simm.s32 $0x9;
	_ =	strace $0x80000048  }
0xb4: {  	_ =	swait.ge [sflag:s29], $0x1  }
0xb5: {  	[sflag:s29] =	ssyncadd.s32 $0xFFFFFFFF  }
0xb6: {  	_ =	strace $0x90000048  }
0xb7: {  	_ =	sfence  }
0xb8: {  	s30 =	sld [smem:$0x0];
	_ =	sdelay $0x2  }
0xb9: {  	s31 =	sshll.u32 s1, $0xD;
	s1 =	sshrl.u32 s1, $0x2  }
0xba: {  	s3 =	sand.u32 $0x4000, s31;
	s1 =	sadd.s32 s1, s30  }
0xbb: {  	s0 =	sor.u32 s3, s0;
	s1 =	sshll.u32 s1, $0x11  }
0xbc: {  	s0 =	sor.u32 s1, s0  }
0xbd: {  	s0 =	sadd.s32 $0x8F2B, s0  }
0xbe: {  	[sflag:s0] =	ssyncadd.remote.s32 $0x1  }
0xbf: {  	_ =	sfence.sel $0xFFFF  }
0xc0: {  	[dreg:$0x0] =	wrdreg $0xFFFFFFFF;
	(pc) =	sbr.abs _section_cstart, $3  }
0xc1: {  	[dreg:$0x1] =	wrdreg $0xFFFFFFFF  }
0xc2: {  	_ =	task.clear_ibuf [dreg:s7], $0x2FFFF;
	_ =	strace $0x9FFFFFFF  }
0xc3: {  	(tm) =	ssettm $0x7FFFFFFF  }
tec
execute0_lowered:
.L_overlay_start_1:
0x0: {  	(tag) =	ssettag $0x1  }
0x1: {  	s5 =	rddreg [dreg:$0x0]  }
0x2: {  	s7 =	rddreg [dreg:$0x1]  }
0x3: {  	s0 =	srdreg.scid;
	s2 =	rddreg [dreg:$0x2]  }
0x4: {  	s3 =	simm.s32 $0x0;
	s6 =	sand.u32 $0x1, s0;
	s0 =	stileid.u32  }
0x5: {  	s14 =	simm.s32 $0x1;
	s16 =	simm.s32 $0x0;
	s8 =	smul.u32 $0xFA00, s0  }
0x6: {  	[smem:$0x7FF] =	sst s3;
	s1 =	sshll.u32 s6, $0x4;
	s10 =	smul.u32 $0x27100, s6  }
0x7: {  	s6 =	ssub.s32 $0x2, s6;
	s11 =	smul.u32 $0x3E80, s0;
	p0 =	sgt.u32 s0, $0x9  }
0x8: {  	s4 =	sor.u32 s0, s1;
	s1 =	rddreg [dreg:$0x3];
	_ =	strace $0x80000047  }
0x9: {  	s12 =	sshrl.u32 s6, $0x1;
	s4 =	smul.u32 $0x500, s4;
	s8 =	sshrl.u32 s8, $0x2  }
0xa: {  	s12 =	ssub.s32 s6, s12;
	s31 =	sadd.s32 s11, s10;
	s15 =	sadd.s32 s11, s2  }
0xb: {  	s11 =	simm.s32 $0x2800;
	s13 =	sadd.s32 s8, s2;
	s8 =	sshrl.u32 s31, $0x3  }
0xc: {  	s15 =	sshrl.u32 @!p0 s15, $0x3;
	s9 =	sadd.s32 s4, s5;
	s4 =	sadd.s32 $0x15E00, s5  }
0xd: {  	s5 =	sadd.s32 $0x16600, s5;
	s7 =	sadd.s32 s7, s8;
	s8 =	smax.u32 s12, $0x1  }
0xe: {  	s10 =	sshrl.u32 @!p0 s13, $0x3;
	s6 =	sadd.s32 $0x1E00, s9;
	s9 =	sshll.u32 @!p0 s0, $0x6  }
0xf: {  	s12 =	simm.s32 $0x2;
	s13 =	simm.s32 $0x80;
	s9 =	sor.u32 @!p0 $0x1C02, s9  }
.LBB2_1:
0x10: {  	[spmem:s10], [sflag:s9] =	dma.local @!p0 [hbm:s4], $0x7D0  }
0x11: {  	s17 =	simm.s32 @!p0 $0x2  }
0x12: {  	_ =	swait.ge @!p0 [sflag:s17], $0x7D0  }
0x13: {  	[sflag:s17] =	ssyncset.done @!p0 $0x0  }
0x14: {  	[sflag:s17] =	ssyncadd.s32 @!p0 $0xFFFFF830  }
0x15: {  	[tilespmem:s11], [sflag:$0x2] =	stream.linear.gather [hbm4b:s5+s3], $0x800, $0x38;
	[tilespmem:$0x5718] =	vst v63  }
0x16: {  	_ =	swait.ge [sflag:s12], $0x800  }
0x17: {  	[sflag:s12] =	ssyncset.done $0x0  }
0x18: {  	[sflag:s12] =	ssyncadd.s32 $0xFFFFF800  }
0x19: {  	[tilespmem:s3], [sflag:$0x2] =	stream.linear.gather [hbm4b:s6+s3], $0x2800, $0x38;
	[tilespmem:$0x5718] =	vst v63  }
0x1a: {  	_ =	swait.ge [sflag:s12], $0x2800  }
0x1b: {  	[sflag:s12] =	ssyncset.done $0x0  }
0x1c: {  	[sflag:s12] =	ssyncadd.s32 $0xFFFFD800  }
0x1d: {  	[bflag:$0x0] =	sbarrier.arrive $0xFFFF  }
0x1e: {  	[spmem:s2] =	stream.indirect.scatter.add.f32 [tilespmem:s11], [sflag:$0x1], $0x10, s3, s13, $0xb8;
	[tilespmem:$0x5718] =	vst v63  }
0x1f: {  	s31 =	simm.s32 $0x80  }
0x20: {  	[spmem:s2] =	stream.indirect.scatter.add.f32 [tilespmem:s11], [sflag:$0x1], $0x10, s31, s13, $0xb8;
	[tilespmem:$0x5718] =	vst v63  }
0x21: {  	_ =	swait.ge [sflag:s14], $0x800  }
0x22: {  	s17 =	simm.s32 $0x400;
	[sflag:s14] =	ssyncset.done $0x0  }
.LBB2_2:
0x23: {  	s18 =	sshra.s32 s17, $0x2;
	[sflag:s14] =	ssyncadd.s32 $0xFFFFF800;
	p1 =	sne.s32 s17, $0x9E00  }
0x24: {  	[spmem:s2] =	stream.indirect.scatter.add.f32 [tilespmem:s11], [sflag:$0x1], $0x10, s18, s13, $0xb8;
	[tilespmem:$0x5718] =	vst v63  }
.Ltmp0:
0x25: {  	_ = 	snop;
	(pc) =	sbr.rel @p1 .LBB2_2-.Ltmp0, $4  }
0x26: {  	_ = 	snop  }
0x27: {  	s17 =	sadd.s32 $0x200, s17  }
0x28: {  	_ =	swait.ge [sflag:s14], $0x800  }
0x29: {  	[sflag:s14] =	ssyncset.done $0x0  }
0x2a: {  	[sflag:s14] =	ssyncadd.s32 $0xFFFFF800  }
0x2b: {  	_ =	swait.ge [sflag:s14], $0x800  }
0x2c: {  	s16 =	sadd.s32 $0x1, s16;
	[sflag:s14] =	ssyncset.done $0x0  }
0x2d: {  	p1 =	sne.s32 s16, s8;
	[sflag:s14] =	ssyncadd.s32 $0xFFFFF800  }
.Ltmp1:
0x2e: {  	s17 =	simm.s32 @!p0 $0x2;
	[bflag:$0x0] =	sbarrier.arrive $0xFFFF;
	(pc) =	sbr.rel @p1 .LBB2_1-.Ltmp1, $4  }
0x2f: {  	[hbm:s7], [sflag:s9] =	dma.local @!p0 [spmem:s15], $0x7D0  }
0x30: {  	_ =	swait.ge @!p0 [sflag:s17], $0x7D0  }
0x31: {  	[sflag:s17] =	ssyncset.done @!p0 $0x0  }
0x32: {  	[sflag:s17] =	ssyncadd.s32 @!p0 $0xFFFFF830  }
0x33: {  	_ =	sfence.sel $0x180000  }
0x34: {  	[bflag:$0x0] =	sbarrier.arrive $0xFFFF  }
0x35: {  	p0 =	sne.s32 s0, $0x0;
	_ =	strace $0x90000047  }
0x36: {  	s0 =	sadd.s32 @!p0 $0x100000, s1;
	[bflag:$0x2] =	sbarrier.arrive $0xFFFF  }
0x37: {  	[sflag:s0] =	ssyncadd.tile.s32 @!p0 $0x1;
	_ =	shalt  }
.Lfunc_end2:
_tile_overlayer_lowered:
.L_overlay_start_2:
0x38: {  	(tag) =	ssettag $0x2  }
0x39: {  	s0 =	rddreg [dreg:$0x0];
	s2 =	stileid.u32  }
0x3a: {  	s1 =	rddreg [dreg:$0x1];
	p0 =	sne.s32 s2, $0x0  }
0x3b: {  	s3 =	rddreg [dreg:$0x2];
	[bflag:$0x3] =	sbarrier.arrive $0xFFFF;
	s2 =	simm.s32 @!p0 $0x1C02  }
0x3c: {  	[timem:s3], [sflag:s2] =	dma.local @!p0 [hbm:s0], s1  }
0x3d: {  	s0 =	simm.s32 @!p0 $0x2  }
0x3e: {  	_ =	swait.ge @!p0 [sflag:s0], s1  }
0x3f: {  	s1 =	ssub.s32 @!p0 $0x0, s1;
	[sflag:s0] =	ssyncset.done @!p0 $0x0  }
0x40: {  	[sflag:s0] =	ssyncadd.s32 @!p0 s1  }
0x41: {  	[bflag:$0x3] =	sbarrier.arrive $0xFFFF  }
0x42: {  	_ =	shalt  }

</sc_bundles>
